<compile_context>
chip_gen: v7x
topology: tpu7x:2x2x1
jax: 0.10.2.dev20260603
libtpu: 0.0.44.dev20260713+nightly
codegen_flags: <defaults>
</compile_context>

<pallas_src>
import functools

import jax
import jax.numpy as jnp
from jax import lax
from jax.experimental import pallas as pl
from jax.experimental.pallas import tpu as pltpu
from jax.experimental.pallas import tpu_sc as plsc

N_NODES = 10000
N_EDGES = 320000
D_IN = 128
D_OUT = 128
DDEG = 8

NC = 2
NS = 16
NW = NC * NS
EDGES_PER_W = N_EDGES // NW
CHUNK = 128
NSTREAM = 3
CPS = 26
MAIN_PER_W = NSTREAM * CPS * CHUNK
TAIL = EDGES_PER_W - MAIN_PER_W
ROWS_PER_S = N_NODES // NS


_mesh = plsc.VectorSubcoreMesh(
    core_axis_name="c", subcore_axis_name="s", num_cores=NC, num_subcores=NS
)


@functools.partial(
    pl.kernel,
    out_type=(
        jax.ShapeDtypeStruct((NC, N_NODES, D_IN), jnp.bfloat16),
        jax.ShapeDtypeStruct((NC, N_NODES, DDEG), jnp.float32),
    ),
    mesh=_mesh,
    scratch_types=[
        pltpu.VMEM_SHARED((N_NODES, D_IN), jnp.bfloat16),
        pltpu.VMEM_SHARED((N_NODES, DDEG), jnp.float32),
        pltpu.VMEM((CPS, CHUNK), jnp.int32),
        pltpu.VMEM((CPS, CHUNK), jnp.int32),
        pltpu.VMEM((CPS, CHUNK), jnp.int32),
        pltpu.VMEM((CPS, CHUNK), jnp.int32),
        pltpu.VMEM((CPS, CHUNK), jnp.int32),
        pltpu.VMEM((CPS, CHUNK), jnp.int32),
        pltpu.VMEM((TAIL,), jnp.int32),
        pltpu.VMEM((TAIL,), jnp.int32),
        pltpu.VMEM((CHUNK, D_IN), jnp.bfloat16),
        pltpu.VMEM((CHUNK, D_IN), jnp.bfloat16),
        pltpu.VMEM((CHUNK, D_IN), jnp.bfloat16),
        pltpu.VMEM((CHUNK, DDEG), jnp.float32),
        pltpu.SemaphoreType.DMA,
        pltpu.SemaphoreType.DMA,
        pltpu.SemaphoreType.DMA,
        pltpu.SemaphoreType.DMA,
        pltpu.SemaphoreType.DMA,
        pltpu.SemaphoreType.DMA,
        pltpu.SemaphoreType.DMA,
    ],
    compiler_params=pltpu.CompilerParams(use_tc_tiling_on_sc=False),
)
def _sc_scatter(x_hbm, col_hbm, row_hbm, colt_hbm, rowt_hbm,
                ones_hbm, zacc_hbm, zdeg_hbm, acc_hbm, deg_hbm,
                acc_s, deg_s, col_a, row_a, col_b, row_b, col_c, row_c,
                colt_v, rowt_v, buf_a, buf_b, buf_c, ones_v,
                sem_ga, sem_gb, sem_gc, sem_sa, sem_sb, sem_sc, sem_d):
    c = lax.axis_index("c")
    s = lax.axis_index("s")
    g = c * NS + s

    base_rows = s * ROWS_PER_S
    base_c = g * NSTREAM * CPS
    zacc_sl = acc_s.at[pl.ds(base_rows, ROWS_PER_S)]
    zdeg_sl = deg_s.at[pl.ds(base_rows, ROWS_PER_S)]
    pltpu.async_copy(zacc_hbm, zacc_sl, sem_sa)
    pltpu.async_copy(zdeg_hbm, zdeg_sl, sem_sb)
    pltpu.async_copy(col_hbm.at[pl.ds(base_c, CPS)], col_a, sem_ga)
    pltpu.async_copy(row_hbm.at[pl.ds(base_c, CPS)], row_a, sem_ga)
    pltpu.async_copy(col_hbm.at[pl.ds(base_c + CPS, CPS)], col_b, sem_gb)
    pltpu.async_copy(row_hbm.at[pl.ds(base_c + CPS, CPS)], row_b, sem_gb)
    pltpu.async_copy(col_hbm.at[pl.ds(base_c + 2 * CPS, CPS)], col_c, sem_gc)
    pltpu.async_copy(row_hbm.at[pl.ds(base_c + 2 * CPS, CPS)], row_c, sem_gc)
    pltpu.async_copy(colt_hbm.at[g], colt_v, sem_sc)
    pltpu.async_copy(rowt_hbm.at[g], rowt_v, sem_sc)
    pltpu.sync_copy(ones_hbm, ones_v)
    pltpu.make_async_copy(zacc_hbm, zacc_sl, sem_sa).wait()
    pltpu.make_async_copy(zdeg_hbm, zdeg_sl, sem_sb).wait()
    pltpu.make_async_copy(col_hbm.at[pl.ds(base_c, CPS)], col_a, sem_ga).wait()
    pltpu.make_async_copy(row_hbm.at[pl.ds(base_c, CPS)], row_a, sem_ga).wait()
    pltpu.make_async_copy(col_hbm.at[pl.ds(base_c, CPS)], col_b, sem_gb).wait()
    pltpu.make_async_copy(row_hbm.at[pl.ds(base_c, CPS)], row_b, sem_gb).wait()
    pltpu.make_async_copy(col_hbm.at[pl.ds(base_c, CPS)], col_c, sem_gc).wait()
    pltpu.make_async_copy(row_hbm.at[pl.ds(base_c, CPS)], row_c, sem_gc).wait()
    pltpu.make_async_copy(colt_hbm.at[g], colt_v, sem_sc).wait()
    pltpu.make_async_copy(rowt_hbm.at[g], rowt_v, sem_sc).wait()

    plsc.subcore_barrier()

    streams = ((col_a, row_a, buf_a, sem_ga, sem_sa),
               (col_b, row_b, buf_b, sem_gb, sem_sb),
               (col_c, row_c, buf_c, sem_gc, sem_sc))

    for (colv, rowv, buf, sg, ss) in streams:
        pltpu.async_copy(x_hbm.at[colv.at[0]], buf, sg)

    def _pipe(j, carry):
        for (colv, rowv, buf, sg, ss) in streams:
            pltpu.async_copy(ones_v, deg_s.at[rowv.at[j]], sem_d, add=True)
            pltpu.make_async_copy(x_hbm.at[colv.at[j]], buf, sg).wait()
            pltpu.async_copy(buf, acc_s.at[rowv.at[j]], ss, add=True)

        for (colv, rowv, buf, sg, ss) in streams:
            pltpu.make_async_copy(buf, acc_s.at[rowv.at[j]], ss).wait()

            @pl.when(j < CPS - 1)
            def _():
                pltpu.async_copy(x_hbm.at[colv.at[j + 1]], buf, sg)

        for (colv, rowv, buf, sg, ss) in streams:
            pltpu.make_async_copy(ones_v, deg_s.at[rowv.at[j]], sem_d).wait()

        return carry

    lax.fori_loop(0, CPS, _pipe, 0)

    onest = ones_v.at[pl.ds(0, TAIL)]
    buft = buf_a.at[pl.ds(0, TAIL)]
    pltpu.async_copy(onest, deg_s.at[rowt_v], sem_d, add=True)
    pltpu.async_copy(x_hbm.at[colt_v], buft, sem_ga).wait()
    pltpu.sync_copy(buft, acc_s.at[rowt_v], add=True)
    pltpu.make_async_copy(onest, deg_s.at[rowt_v], sem_d).wait()

    plsc.subcore_barrier()

    wb_acc = acc_hbm.at[c, pl.ds(base_rows, ROWS_PER_S)]
    wb_deg = deg_hbm.at[c, pl.ds(base_rows, ROWS_PER_S)]
    pltpu.async_copy(acc_s.at[pl.ds(base_rows, ROWS_PER_S)], wb_acc, sem_sa)
    pltpu.async_copy(deg_s.at[pl.ds(base_rows, ROWS_PER_S)], wb_deg, sem_sb)
    pltpu.make_async_copy(acc_s.at[pl.ds(base_rows, ROWS_PER_S)], wb_acc,
                          sem_sa).wait()
    pltpu.make_async_copy(deg_s.at[pl.ds(base_rows, ROWS_PER_S)], wb_deg,
                          sem_sb).wait()


_TC_BLK = 2000


def _tc_body(acc_ref, deg_ref, x_ref, w_ref, b_ref, out_ref):
    srows = (acc_ref[0].astype(jnp.float32) + acc_ref[1].astype(jnp.float32)
             + x_ref[...])
    dot = lax.dot_general(srows, w_ref[...], (((1,), (1,)), ((), ())),
                          preferred_element_type=jnp.float32)
    degcol = (deg_ref[0, :, 0:1] + deg_ref[1, :, 0:1]) + 1.0
    out_ref[...] = dot + degcol * b_ref[...]


def _tc_matmul(acc, deg, x, W, b2d):
    return pl.pallas_call(
        _tc_body,
        out_shape=jax.ShapeDtypeStruct((N_NODES, D_OUT), jnp.float32),
        grid=(N_NODES // _TC_BLK,),
        in_specs=[
            pl.BlockSpec((NC, _TC_BLK, D_IN), lambda i: (0, i, 0)),
            pl.BlockSpec((NC, _TC_BLK, DDEG), lambda i: (0, i, 0)),
            pl.BlockSpec((_TC_BLK, D_IN), lambda i: (i, 0)),
            pl.BlockSpec((D_OUT, D_IN), lambda i: (0, 0)),
            pl.BlockSpec((1, D_OUT), lambda i: (0, 0)),
        ],
        out_specs=pl.BlockSpec((_TC_BLK, D_OUT), lambda i: (i, 0)),
    )(acc, deg, x, W, b2d)


def kernel(x, edge_index, W, b):
    ei = edge_index.astype(jnp.int32)
    row_w = ei[0].reshape(NW, EDGES_PER_W)
    col_w = ei[1].reshape(NW, EDGES_PER_W)
    row2d = row_w[:, :MAIN_PER_W].reshape(NW * NSTREAM * CPS, CHUNK)
    col2d = col_w[:, :MAIN_PER_W].reshape(NW * NSTREAM * CPS, CHUNK)
    rowt = row_w[:, MAIN_PER_W:]
    colt = col_w[:, MAIN_PER_W:]
    xbf = x.astype(jnp.bfloat16)
    ones8 = jnp.ones((CHUNK, DDEG), jnp.float32)
    zacc = jnp.zeros((ROWS_PER_S, D_IN), jnp.bfloat16)
    zdeg = jnp.zeros((ROWS_PER_S, DDEG), jnp.float32)
    acc, deg = _sc_scatter(xbf, col2d, row2d, colt, rowt, ones8, zacc, zdeg)
    return _tc_matmul(acc, deg, x, W, b.reshape(1, D_OUT))

# --- scband reference (transcript-rebuilt; emitter-appended) ---
"""Pipeline reference for scband-graph-conv-layer-71519795413178 (READ-ONLY COPY).

The authoritative reference and input builder live on the scoring server;
editing this copy changes nothing except your own understanding.
"""

import jax, jax.numpy as jnp
import numpy as np

N_NODES = 10000
N_EDGES = 320000
D_IN = 128
D_OUT = 128

def setup_inputs(seed: int = 0) -> dict:
    key = jax.random.key(seed)
    k1, k2, k3, k4 = jax.random.split(key, 4)
    x = jax.random.normal(k1, (N_NODES, D_IN), dtype=jnp.float32)
    edge_index = jax.random.randint(k2, (2, N_EDGES), 0, N_NODES, dtype=jnp.int64)
    # nn.Linear(in_dim, out_dim): weight [out_dim, in_dim], bias [out_dim]
    bound = 1.0 / np.sqrt(D_IN)
    W = jax.random.uniform(k3, (D_OUT, D_IN), dtype=jnp.float32, minval=-bound, maxval=bound)
    b = jax.random.uniform(k4, (D_OUT,), dtype=jnp.float32, minval=-bound, maxval=bound)
    return {"x": x, "edge_index": edge_index, "W": W, "b": b}

def reference(x, edge_index, W, b):
    row = edge_index[0]
    col = edge_index[1]
    h = x @ W.T + b
    out = jnp.zeros_like(h).at[row].add(h[col])
    out = out + h
    return out

if __name__ == "__main__":
    import jax
    _d = setup_inputs()
    print(jax.jit(kernel)(*tuple(_d.values())))

</pallas_src>

<mosaic_0001>
#map = affine_map<(d0, d1) -> (0, 0)>
#map1 = affine_map<(d0, d1) -> (0, 0, 0)>
module attributes {stable_mosaic.version = 14 : i64} {
  func.func @_sc_scatter(%arg0: i32, %arg1: i32, %arg2: memref<10000x128xbf16, #tpu.memory_space<hbm>>, %arg3: memref<2496x128xi32, #tpu.memory_space<hbm>>, %arg4: memref<2496x128xi32, #tpu.memory_space<hbm>>, %arg5: memref<32x16xi32, #tpu.memory_space<hbm>>, %arg6: memref<32x16xi32, #tpu.memory_space<hbm>>, %arg7: memref<128x8xf32, #tpu.memory_space<hbm>>, %arg8: memref<625x128xbf16, #tpu.memory_space<hbm>>, %arg9: memref<625x8xf32, #tpu.memory_space<hbm>>, %arg10: memref<2x10000x128xbf16, #tpu.memory_space<hbm>>, %arg11: memref<2x10000x8xf32, #tpu.memory_space<hbm>>, %arg12: memref<10000x128xbf16, #tpu.memory_space<vmem_shared>>, %arg13: memref<10000x8xf32, #tpu.memory_space<vmem_shared>>, %arg14: memref<26x128xi32, #tpu.memory_space<vmem>>, %arg15: memref<26x128xi32, #tpu.memory_space<vmem>>, %arg16: memref<26x128xi32, #tpu.memory_space<vmem>>, %arg17: memref<26x128xi32, #tpu.memory_space<vmem>>, %arg18: memref<26x128xi32, #tpu.memory_space<vmem>>, %arg19: memref<26x128xi32, #tpu.memory_space<vmem>>, %arg20: memref<16xi32, #tpu.memory_space<vmem>>, %arg21: memref<16xi32, #tpu.memory_space<vmem>>, %arg22: memref<128x128xbf16, #tpu.memory_space<vmem>>, %arg23: memref<128x128xbf16, #tpu.memory_space<vmem>>, %arg24: memref<128x128xbf16, #tpu.memory_space<vmem>>, %arg25: memref<128x8xf32, #tpu.memory_space<vmem>>, %arg26: memref<!tpu.dma_semaphore, #tpu.memory_space<semaphore_mem>>, %arg27: memref<!tpu.dma_semaphore, #tpu.memory_space<semaphore_mem>>, %arg28: memref<!tpu.dma_semaphore, #tpu.memory_space<semaphore_mem>>, %arg29: memref<!tpu.dma_semaphore, #tpu.memory_space<semaphore_mem>>, %arg30: memref<!tpu.dma_semaphore, #tpu.memory_space<semaphore_mem>>, %arg31: memref<!tpu.dma_semaphore, #tpu.memory_space<semaphore_mem>>, %arg32: memref<!tpu.dma_semaphore, #tpu.memory_space<semaphore_mem>>) attributes {dimension_semantics = [#tpu.dimension_semantics<core_parallel>, #tpu.dimension_semantics<subcore_parallel>], iteration_bounds = array<i64: 2, 16>, scalar_prefetch = 0 : i64, scratch_operands = 21 : i64, tpu.core_type = #tpu.core_type<sc_vector_subcore>, window_params = [{transform_indices = #map}, {transform_indices = #map}, {transform_indices = #map}, {transform_indices = #map}, {transform_indices = #map}, {transform_indices = #map}, {transform_indices = #map}, {transform_indices = #map}, {transform_indices = #map1}, {transform_indices = #map1}]} {
    %mul3A = arith.constant 16 : i32
    %mul3A_0 = arith.muli %arg0, %mul3A : i32
    %add3A = arith.addi %mul3A_0, %arg1 : i32
    %mul3A_1 = arith.constant 625 : i32
    %mul3A_2 = arith.muli %arg1, %mul3A_1 : i32
    %mul3A_3 = arith.constant 3 : i32
    %mul3A_4 = arith.muli %add3A, %mul3A_3 : i32
    %mul3A_5 = arith.constant 26 : i32
    %mul3A_6 = arith.muli %mul3A_4, %mul3A_5 : i32
    %dma_start3A = arith.constant 0 : i32
    %dma_start3A_7 = tpu.memref_slice %arg12[%mul3A_2, %dma_start3A] : memref<10000x128xbf16, #tpu.memory_space<vmem_shared>> -> memref<625x128xbf16, #tpu.memory_space<vmem_shared>>
    tpu.enqueue_dma source(%arg8 : memref<625x128xbf16, #tpu.memory_space<hbm>>) target(%dma_start3A_7 : memref<625x128xbf16, #tpu.memory_space<vmem_shared>>) target_semaphore(%arg29 : memref<!tpu.dma_semaphore, #tpu.memory_space<semaphore_mem>>)
    %dma_start3A_8 = arith.constant 0 : i32
    %dma_start3A_9 = tpu.memref_slice %arg13[%mul3A_2, %dma_start3A_8] : memref<10000x8xf32, #tpu.memory_space<vmem_shared>> -> memref<625x8xf32, #tpu.memory_space<vmem_shared>>
    tpu.enqueue_dma source(%arg9 : memref<625x8xf32, #tpu.memory_space<hbm>>) target(%dma_start3A_9 : memref<625x8xf32, #tpu.memory_space<vmem_shared>>) target_semaphore(%arg30 : memref<!tpu.dma_semaphore, #tpu.memory_space<semaphore_mem>>)
    %dma_start3A_10 = arith.constant 0 : i32
    %dma_start3A_11 = tpu.memref_slice %arg3[%mul3A_6, %dma_start3A_10] : memref<2496x128xi32, #tpu.memory_space<hbm>> -> memref<26x128xi32, #tpu.memory_space<hbm>>
    %dma_start3A_12 = arith.constant 0 : i32
    %dma_start3A_13 = tpu.memref_slice %arg3[%mul3A_6, %dma_start3A_12] : memref<2496x128xi32, #tpu.memory_space<hbm>> -> memref<26x128xi32, #tpu.memory_space<hbm>>
    tpu.enqueue_dma source(%dma_start3A_13 : memref<26x128xi32, #tpu.memory_space<hbm>>) target(%arg14 : memref<26x128xi32, #tpu.memory_space<vmem>>) target_semaphore(%arg26 : memref<!tpu.dma_semaphore, #tpu.memory_space<semaphore_mem>>)
    %dma_start3A_14 = arith.constant 0 : i32
    %dma_start3A_15 = tpu.memref_slice %arg4[%mul3A_6, %dma_start3A_14] : memref<2496x128xi32, #tpu.memory_space<hbm>> -> memref<26x128xi32, #tpu.memory_space<hbm>>
    %dma_start3A_16 = arith.constant 0 : i32
    %dma_start3A_17 = tpu.memref_slice %arg4[%mul3A_6, %dma_start3A_16] : memref<2496x128xi32, #tpu.memory_space<hbm>> -> memref<26x128xi32, #tpu.memory_space<hbm>>
    tpu.enqueue_dma source(%dma_start3A_17 : memref<26x128xi32, #tpu.memory_space<hbm>>) target(%arg15 : memref<26x128xi32, #tpu.memory_space<vmem>>) target_semaphore(%arg26 : memref<!tpu.dma_semaphore, #tpu.memory_space<semaphore_mem>>)
    %add3A_18 = arith.constant 26 : i32
    %add3A_19 = arith.addi %mul3A_6, %add3A_18 : i32
    %dma_start3A_20 = arith.constant 0 : i32
    %dma_start3A_21 = tpu.memref_slice %arg3[%add3A_19, %dma_start3A_20] : memref<2496x128xi32, #tpu.memory_space<hbm>> -> memref<26x128xi32, #tpu.memory_space<hbm>>
    %dma_start3A_22 = arith.constant 0 : i32
    %dma_start3A_23 = tpu.memref_slice %arg3[%add3A_19, %dma_start3A_22] : memref<2496x128xi32, #tpu.memory_space<hbm>> -> memref<26x128xi32, #tpu.memory_space<hbm>>
    tpu.enqueue_dma source(%dma_start3A_23 : memref<26x128xi32, #tpu.memory_space<hbm>>) target(%arg16 : memref<26x128xi32, #tpu.memory_space<vmem>>) target_semaphore(%arg27 : memref<!tpu.dma_semaphore, #tpu.memory_space<semaphore_mem>>)
    %add3A_24 = arith.constant 26 : i32
    %add3A_25 = arith.addi %mul3A_6, %add3A_24 : i32
    %dma_start3A_26 = arith.constant 0 : i32
    %dma_start3A_27 = tpu.memref_slice %arg4[%add3A_25, %dma_start3A_26] : memref<2496x128xi32, #tpu.memory_space<hbm>> -> memref<26x128xi32, #tpu.memory_space<hbm>>
    %dma_start3A_28 = arith.constant 0 : i32
    %dma_start3A_29 = tpu.memref_slice %arg4[%add3A_25, %dma_start3A_28] : memref<2496x128xi32, #tpu.memory_space<hbm>> -> memref<26x128xi32, #tpu.memory_space<hbm>>
    tpu.enqueue_dma source(%dma_start3A_29 : memref<26x128xi32, #tpu.memory_space<hbm>>) target(%arg17 : memref<26x128xi32, #tpu.memory_space<vmem>>) target_semaphore(%arg27 : memref<!tpu.dma_semaphore, #tpu.memory_space<semaphore_mem>>)
    %add3A_30 = arith.constant 52 : i32
    %add3A_31 = arith.addi %mul3A_6, %add3A_30 : i32
    %dma_start3A_32 = arith.constant 0 : i32
    %dma_start3A_33 = tpu.memref_slice %arg3[%add3A_31, %dma_start3A_32] : memref<2496x128xi32, #tpu.memory_space<hbm>> -> memref<26x128xi32, #tpu.memory_space<hbm>>
    %dma_start3A_34 = arith.constant 0 : i32
    %dma_start3A_35 = tpu.memref_slice %arg3[%add3A_31, %dma_start3A_34] : memref<2496x128xi32, #tpu.memory_space<hbm>> -> memref<26x128xi32, #tpu.memory_space<hbm>>
    tpu.enqueue_dma source(%dma_start3A_35 : memref<26x128xi32, #tpu.memory_space<hbm>>) target(%arg18 : memref<26x128xi32, #tpu.memory_space<vmem>>) target_semaphore(%arg28 : memref<!tpu.dma_semaphore, #tpu.memory_space<semaphore_mem>>)
    %add3A_36 = arith.constant 52 : i32
    %add3A_37 = arith.addi %mul3A_6, %add3A_36 : i32
    %dma_start3A_38 = arith.constant 0 : i32
    %dma_start3A_39 = tpu.memref_slice %arg4[%add3A_37, %dma_start3A_38] : memref<2496x128xi32, #tpu.memory_space<hbm>> -> memref<26x128xi32, #tpu.memory_space<hbm>>
    %dma_start3A_40 = arith.constant 0 : i32
    %dma_start3A_41 = tpu.memref_slice %arg4[%add3A_37, %dma_start3A_40] : memref<2496x128xi32, #tpu.memory_space<hbm>> -> memref<26x128xi32, #tpu.memory_space<hbm>>
    tpu.enqueue_dma source(%dma_start3A_41 : memref<26x128xi32, #tpu.memory_space<hbm>>) target(%arg19 : memref<26x128xi32, #tpu.memory_space<vmem>>) target_semaphore(%arg28 : memref<!tpu.dma_semaphore, #tpu.memory_space<semaphore_mem>>)
    %dma_start3A_42 = arith.constant 0 : i32
    %dma_start3A_43 = tpu.memref_slice %arg5[%add3A, %dma_start3A_42] : memref<32x16xi32, #tpu.memory_space<hbm>> -> memref<1x16xi32, #tpu.memory_space<hbm>>
    %dma_start3A_44 = tpu.memref_squeeze %dma_start3A_43 : memref<1x16xi32, #tpu.memory_space<hbm>> -> memref<16xi32, #tpu.memory_space<hbm>>
    %dma_start3A_45 = arith.constant 0 : i32
    %dma_start3A_46 = tpu.memref_slice %arg5[%add3A, %dma_start3A_45] : memref<32x16xi32, #tpu.memory_space<hbm>> -> memref<1x16xi32, #tpu.memory_space<hbm>>
    %dma_start3A_47 = tpu.memref_squeeze %dma_start3A_46 : memref<1x16xi32, #tpu.memory_space<hbm>> -> memref<16xi32, #tpu.memory_space<hbm>>
    tpu.enqueue_dma source(%dma_start3A_47 : memref<16xi32, #tpu.memory_space<hbm>>) target(%arg20 : memref<16xi32, #tpu.memory_space<vmem>>) target_semaphore(%arg31 : memref<!tpu.dma_semaphore, #tpu.memory_space<semaphore_mem>>)
    %dma_start3A_48 = arith.constant 0 : i32
    %dma_start3A_49 = tpu.memref_slice %arg6[%add3A, %dma_start3A_48] : memref<32x16xi32, #tpu.memory_space<hbm>> -> memref<1x16xi32, #tpu.memory_space<hbm>>
    %dma_start3A_50 = tpu.memref_squeeze %dma_start3A_49 : memref<1x16xi32, #tpu.memory_space<hbm>> -> memref<16xi32, #tpu.memory_space<hbm>>
    %dma_start3A_51 = arith.constant 0 : i32
    %dma_start3A_52 = tpu.memref_slice %arg6[%add3A, %dma_start3A_51] : memref<32x16xi32, #tpu.memory_space<hbm>> -> memref<1x16xi32, #tpu.memory_space<hbm>>
    %dma_start3A_53 = tpu.memref_squeeze %dma_start3A_52 : memref<1x16xi32, #tpu.memory_space<hbm>> -> memref<16xi32, #tpu.memory_space<hbm>>
    tpu.enqueue_dma source(%dma_start3A_53 : memref<16xi32, #tpu.memory_space<hbm>>) target(%arg21 : memref<16xi32, #tpu.memory_space<vmem>>) target_semaphore(%arg31 : memref<!tpu.dma_semaphore, #tpu.memory_space<semaphore_mem>>)
    "tpu.region"() ({
      %run_scoped3A = tpu.sem_alloc : memref<!tpu.dma_semaphore, #tpu.memory_space<semaphore_mem>>
      tpu.enqueue_dma source(%arg7 : memref<128x8xf32, #tpu.memory_space<hbm>>) target(%arg25 : memref<128x8xf32, #tpu.memory_space<vmem>>) target_semaphore(%run_scoped3A : memref<!tpu.dma_semaphore, #tpu.memory_space<semaphore_mem>>)
      tpu.wait_dma2 semaphore(%run_scoped3A : memref<!tpu.dma_semaphore, #tpu.memory_space<semaphore_mem>>) src(%arg7 : memref<128x8xf32, #tpu.memory_space<hbm>>) dst(%arg25 : memref<128x8xf32, #tpu.memory_space<vmem>>)
      tpu.yield
    }) : () -> ()
    %dma_wait3A = arith.constant 0 : i32
    %dma_wait3A_54 = tpu.memref_slice %arg12[%mul3A_2, %dma_wait3A] : memref<10000x128xbf16, #tpu.memory_space<vmem_shared>> -> memref<625x128xbf16, #tpu.memory_space<vmem_shared>>
    tpu.wait_dma2 semaphore(%arg29 : memref<!tpu.dma_semaphore, #tpu.memory_space<semaphore_mem>>) src(%arg8 : memref<625x128xbf16, #tpu.memory_space<hbm>>) dst(%dma_wait3A_54 : memref<625x128xbf16, #tpu.memory_space<vmem_shared>>)
    %dma_wait3A_55 = arith.constant 0 : i32
    %dma_wait3A_56 = tpu.memref_slice %arg13[%mul3A_2, %dma_wait3A_55] : memref<10000x8xf32, #tpu.memory_space<vmem_shared>> -> memref<625x8xf32, #tpu.memory_space<vmem_shared>>
    tpu.wait_dma2 semaphore(%arg30 : memref<!tpu.dma_semaphore, #tpu.memory_space<semaphore_mem>>) src(%arg9 : memref<625x8xf32, #tpu.memory_space<hbm>>) dst(%dma_wait3A_56 : memref<625x8xf32, #tpu.memory_space<vmem_shared>>)
    %dma_wait3A_57 = arith.constant 0 : i32
    %dma_wait3A_58 = tpu.memref_slice %arg3[%mul3A_6, %dma_wait3A_57] : memref<2496x128xi32, #tpu.memory_space<hbm>> -> memref<26x128xi32, #tpu.memory_space<hbm>>
    %dma_wait3A_59 = arith.constant 0 : i32
    %dma_wait3A_60 = tpu.memref_slice %arg3[%mul3A_6, %dma_wait3A_59] : memref<2496x128xi32, #tpu.memory_space<hbm>> -> memref<26x128xi32, #tpu.memory_space<hbm>>
    tpu.wait_dma2 semaphore(%arg26 : memref<!tpu.dma_semaphore, #tpu.memory_space<semaphore_mem>>) src(%dma_wait3A_60 : memref<26x128xi32, #tpu.memory_space<hbm>>) dst(%arg14 : memref<26x128xi32, #tpu.memory_space<vmem>>)
    %dma_wait3A_61 = arith.constant 0 : i32
    %dma_wait3A_62 = tpu.memref_slice %arg4[%mul3A_6, %dma_wait3A_61] : memref<2496x128xi32, #tpu.memory_space<hbm>> -> memref<26x128xi32, #tpu.memory_space<hbm>>
    %dma_wait3A_63 = arith.constant 0 : i32
    %dma_wait3A_64 = tpu.memref_slice %arg4[%mul3A_6, %dma_wait3A_63] : memref<2496x128xi32, #tpu.memory_space<hbm>> -> memref<26x128xi32, #tpu.memory_space<hbm>>
    tpu.wait_dma2 semaphore(%arg26 : memref<!tpu.dma_semaphore, #tpu.memory_space<semaphore_mem>>) src(%dma_wait3A_64 : memref<26x128xi32, #tpu.memory_space<hbm>>) dst(%arg15 : memref<26x128xi32, #tpu.memory_space<vmem>>)
    %dma_wait3A_65 = arith.constant 0 : i32
    %dma_wait3A_66 = tpu.memref_slice %arg3[%mul3A_6, %dma_wait3A_65] : memref<2496x128xi32, #tpu.memory_space<hbm>> -> memref<26x128xi32, #tpu.memory_space<hbm>>
    %dma_wait3A_67 = arith.constant 0 : i32
    %dma_wait3A_68 = tpu.memref_slice %arg3[%mul3A_6, %dma_wait3A_67] : memref<2496x128xi32, #tpu.memory_space<hbm>> -> memref<26x128xi32, #tpu.memory_space<hbm>>
    tpu.wait_dma2 semaphore(%arg27 : memref<!tpu.dma_semaphore, #tpu.memory_space<semaphore_mem>>) src(%dma_wait3A_68 : memref<26x128xi32, #tpu.memory_space<hbm>>) dst(%arg16 : memref<26x128xi32, #tpu.memory_space<vmem>>)
    %dma_wait3A_69 = arith.constant 0 : i32
    %dma_wait3A_70 = tpu.memref_slice %arg4[%mul3A_6, %dma_wait3A_69] : memref<2496x128xi32, #tpu.memory_space<hbm>> -> memref<26x128xi32, #tpu.memory_space<hbm>>
    %dma_wait3A_71 = arith.constant 0 : i32
    %dma_wait3A_72 = tpu.memref_slice %arg4[%mul3A_6, %dma_wait3A_71] : memref<2496x128xi32, #tpu.memory_space<hbm>> -> memref<26x128xi32, #tpu.memory_space<hbm>>
    tpu.wait_dma2 semaphore(%arg27 : memref<!tpu.dma_semaphore, #tpu.memory_space<semaphore_mem>>) src(%dma_wait3A_72 : memref<26x128xi32, #tpu.memory_space<hbm>>) dst(%arg17 : memref<26x128xi32, #tpu.memory_space<vmem>>)
    %dma_wait3A_73 = arith.constant 0 : i32
    %dma_wait3A_74 = tpu.memref_slice %arg3[%mul3A_6, %dma_wait3A_73] : memref<2496x128xi32, #tpu.memory_space<hbm>> -> memref<26x128xi32, #tpu.memory_space<hbm>>
    %dma_wait3A_75 = arith.constant 0 : i32
    %dma_wait3A_76 = tpu.memref_slice %arg3[%mul3A_6, %dma_wait3A_75] : memref<2496x128xi32, #tpu.memory_space<hbm>> -> memref<26x128xi32, #tpu.memory_space<hbm>>
    tpu.wait_dma2 semaphore(%arg28 : memref<!tpu.dma_semaphore, #tpu.memory_space<semaphore_mem>>) src(%dma_wait3A_76 : memref<26x128xi32, #tpu.memory_space<hbm>>) dst(%arg18 : memref<26x128xi32, #tpu.memory_space<vmem>>)
    %dma_wait3A_77 = arith.constant 0 : i32
    %dma_wait3A_78 = tpu.memref_slice %arg4[%mul3A_6, %dma_wait3A_77] : memref<2496x128xi32, #tpu.memory_space<hbm>> -> memref<26x128xi32, #tpu.memory_space<hbm>>
    %dma_wait3A_79 = arith.constant 0 : i32
    %dma_wait3A_80 = tpu.memref_slice %arg4[%mul3A_6, %dma_wait3A_79] : memref<2496x128xi32, #tpu.memory_space<hbm>> -> memref<26x128xi32, #tpu.memory_space<hbm>>
    tpu.wait_dma2 semaphore(%arg28 : memref<!tpu.dma_semaphore, #tpu.memory_space<semaphore_mem>>) src(%dma_wait3A_80 : memref<26x128xi32, #tpu.memory_space<hbm>>) dst(%arg19 : memref<26x128xi32, #tpu.memory_space<vmem>>)
    %dma_wait3A_81 = arith.constant 0 : i32
    %dma_wait3A_82 = tpu.memref_slice %arg5[%add3A, %dma_wait3A_81] : memref<32x16xi32, #tpu.memory_space<hbm>> -> memref<1x16xi32, #tpu.memory_space<hbm>>
    %dma_wait3A_83 = tpu.memref_squeeze %dma_wait3A_82 : memref<1x16xi32, #tpu.memory_space<hbm>> -> memref<16xi32, #tpu.memory_space<hbm>>
    %dma_wait3A_84 = arith.constant 0 : i32
    %dma_wait3A_85 = tpu.memref_slice %arg5[%add3A, %dma_wait3A_84] : memref<32x16xi32, #tpu.memory_space<hbm>> -> memref<1x16xi32, #tpu.memory_space<hbm>>
    %dma_wait3A_86 = tpu.memref_squeeze %dma_wait3A_85 : memref<1x16xi32, #tpu.memory_space<hbm>> -> memref<16xi32, #tpu.memory_space<hbm>>
    tpu.wait_dma2 semaphore(%arg31 : memref<!tpu.dma_semaphore, #tpu.memory_space<semaphore_mem>>) src(%dma_wait3A_86 : memref<16xi32, #tpu.memory_space<hbm>>) dst(%arg20 : memref<16xi32, #tpu.memory_space<vmem>>)
    %dma_wait3A_87 = arith.constant 0 : i32
    %dma_wait3A_88 = tpu.memref_slice %arg6[%add3A, %dma_wait3A_87] : memref<32x16xi32, #tpu.memory_space<hbm>> -> memref<1x16xi32, #tpu.memory_space<hbm>>
    %dma_wait3A_89 = tpu.memref_squeeze %dma_wait3A_88 : memref<1x16xi32, #tpu.memory_space<hbm>> -> memref<16xi32, #tpu.memory_space<hbm>>
    %dma_wait3A_90 = arith.constant 0 : i32
    %dma_wait3A_91 = tpu.memref_slice %arg6[%add3A, %dma_wait3A_90] : memref<32x16xi32, #tpu.memory_space<hbm>> -> memref<1x16xi32, #tpu.memory_space<hbm>>
    %dma_wait3A_92 = tpu.memref_squeeze %dma_wait3A_91 : memref<1x16xi32, #tpu.memory_space<hbm>> -> memref<16xi32, #tpu.memory_space<hbm>>
    tpu.wait_dma2 semaphore(%arg31 : memref<!tpu.dma_semaphore, #tpu.memory_space<semaphore_mem>>) src(%dma_wait3A_92 : memref<16xi32, #tpu.memory_space<hbm>>) dst(%arg21 : memref<16xi32, #tpu.memory_space<vmem>>)
    %barrier3A = arith.constant 0 : index
    tpu.barrier barrier_id(%barrier3A)
    %dma_start3A_93 = arith.constant 0 : i32
    %dma_start3A_94 = arith.constant 0 : i32
    %dma_start3A_95 = tpu.memref_slice %arg14[%dma_start3A_93, %dma_start3A_94] : memref<26x128xi32, #tpu.memory_space<vmem>> -> memref<1x128xi32, #tpu.memory_space<vmem>>
    %dma_start3A_96 = tpu.memref_squeeze %dma_start3A_95 : memref<1x128xi32, #tpu.memory_space<vmem>> -> memref<128xi32, #tpu.memory_space<vmem>>
    %dma_start3A_97 = arith.constant 0 : i32
    %dma_start3A_98 = arith.constant 0 : i32
    %dma_start3A_99 = tpu.memref_slice %arg2[%dma_start3A_97, %dma_start3A_98] : memref<10000x128xbf16, #tpu.memory_space<hbm>> -> memref<10000x128xbf16, #tpu.memory_space<hbm>>
    tpu.enqueue_indirect_dma source(%dma_start3A_99 : memref<10000x128xbf16, #tpu.memory_space<hbm>>) target(%arg22 : memref<128x128xbf16, #tpu.memory_space<vmem>>) offsets(%dma_start3A_96 : memref<128xi32, #tpu.memory_space<vmem>>) semaphore(%arg26 : memref<!tpu.dma_semaphore, #tpu.memory_space<semaphore_mem>>)
    %dma_start3A_100 = arith.constant 0 : i32
    %dma_start3A_101 = arith.constant 0 : i32
    %dma_start3A_102 = tpu.memref_slice %arg16[%dma_start3A_100, %dma_start3A_101] : memref<26x128xi32, #tpu.memory_space<vmem>> -> memref<1x128xi32, #tpu.memory_space<vmem>>
    %dma_start3A_103 = tpu.memref_squeeze %dma_start3A_102 : memref<1x128xi32, #tpu.memory_space<vmem>> -> memref<128xi32, #tpu.memory_space<vmem>>
    %dma_start3A_104 = arith.constant 0 : i32
    %dma_start3A_105 = arith.constant 0 : i32
    %dma_start3A_106 = tpu.memref_slice %arg2[%dma_start3A_104, %dma_start3A_105] : memref<10000x128xbf16, #tpu.memory_space<hbm>> -> memref<10000x128xbf16, #tpu.memory_space<hbm>>
    tpu.enqueue_indirect_dma source(%dma_start3A_106 : memref<10000x128xbf16, #tpu.memory_space<hbm>>) target(%arg23 : memref<128x128xbf16, #tpu.memory_space<vmem>>) offsets(%dma_start3A_103 : memref<128xi32, #tpu.memory_space<vmem>>) semaphore(%arg27 : memref<!tpu.dma_semaphore, #tpu.memory_space<semaphore_mem>>)
    %dma_start3A_107 = arith.constant 0 : i32
    %dma_start3A_108 = arith.constant 0 : i32
    %dma_start3A_109 = tpu.memref_slice %arg18[%dma_start3A_107, %dma_start3A_108] : memref<26x128xi32, #tpu.memory_space<vmem>> -> memref<1x128xi32, #tpu.memory_space<vmem>>
    %dma_start3A_110 = tpu.memref_squeeze %dma_start3A_109 : memref<1x128xi32, #tpu.memory_space<vmem>> -> memref<128xi32, #tpu.memory_space<vmem>>
    %dma_start3A_111 = arith.constant 0 : i32
    %dma_start3A_112 = arith.constant 0 : i32
    %dma_start3A_113 = tpu.memref_slice %arg2[%dma_start3A_111, %dma_start3A_112] : memref<10000x128xbf16, #tpu.memory_space<hbm>> -> memref<10000x128xbf16, #tpu.memory_space<hbm>>
    tpu.enqueue_indirect_dma source(%dma_start3A_113 : memref<10000x128xbf16, #tpu.memory_space<hbm>>) target(%arg24 : memref<128x128xbf16, #tpu.memory_space<vmem>>) offsets(%dma_start3A_110 : memref<128xi32, #tpu.memory_space<vmem>>) semaphore(%arg28 : memref<!tpu.dma_semaphore, #tpu.memory_space<semaphore_mem>>)
    %scan3A = arith.constant 0 : i32
    %scan3A_114 = arith.constant 0 : i32
    %scan3A_115 = arith.constant 26 : i32
    %scan3A_116 = arith.addi %scan3A_114, %scan3A_115 : i32
    %scan3A_117 = arith.constant 1 : i32
    scf.for %scan3A_164 = %scan3A_114 to %scan3A_116 step %scan3A_117  : i32 {
      %dma_start3A_165 = arith.constant 0 : i32
      %dma_start3A_166 = tpu.memref_slice %arg15[%scan3A_164, %dma_start3A_165] : memref<26x128xi32, #tpu.memory_space<vmem>> -> memref<1x128xi32, #tpu.memory_space<vmem>>
      %dma_start3A_167 = tpu.memref_squeeze %dma_start3A_166 : memref<1x128xi32, #tpu.memory_space<vmem>> -> memref<128xi32, #tpu.memory_space<vmem>>
      %dma_start3A_168 = arith.constant 0 : i32
      %dma_start3A_169 = arith.constant 0 : i32
      %dma_start3A_170 = tpu.memref_slice %arg13[%dma_start3A_168, %dma_start3A_169] : memref<10000x8xf32, #tpu.memory_space<vmem_shared>> -> memref<10000x8xf32, #tpu.memory_space<vmem_shared>>
      tpu.enqueue_indirect_dma source(%arg25 : memref<128x8xf32, #tpu.memory_space<vmem>>) target(%dma_start3A_170 : memref<10000x8xf32, #tpu.memory_space<vmem_shared>>) offsets(%dma_start3A_167 : memref<128xi32, #tpu.memory_space<vmem>>) semaphore(%arg32 : memref<!tpu.dma_semaphore, #tpu.memory_space<semaphore_mem>>) {add = true}
      %dma_wait3A_171 = arith.constant 0 : i32
      %dma_wait3A_172 = tpu.memref_slice %arg14[%scan3A_164, %dma_wait3A_171] : memref<26x128xi32, #tpu.memory_space<vmem>> -> memref<1x128xi32, #tpu.memory_space<vmem>>
      %dma_wait3A_173 = tpu.memref_squeeze %dma_wait3A_172 : memref<1x128xi32, #tpu.memory_space<vmem>> -> memref<128xi32, #tpu.memory_space<vmem>>
      %dma_wait3A_174 = arith.constant 0 : i32
      %dma_wait3A_175 = arith.constant 0 : i32
      %dma_wait3A_176 = tpu.memref_slice %arg2[%dma_wait3A_174, %dma_wait3A_175] : memref<10000x128xbf16, #tpu.memory_space<hbm>> -> memref<10000x128xbf16, #tpu.memory_space<hbm>>
      tpu.wait_indirect_dma semaphore(%arg26 : memref<!tpu.dma_semaphore, #tpu.memory_space<semaphore_mem>>) src(%dma_wait3A_176 : memref<10000x128xbf16, #tpu.memory_space<hbm>>) dst(%arg22 : memref<128x128xbf16, #tpu.memory_space<vmem>>)
      %dma_start3A_177 = arith.constant 0 : i32
      %dma_start3A_178 = tpu.memref_slice %arg15[%scan3A_164, %dma_start3A_177] : memref<26x128xi32, #tpu.memory_space<vmem>> -> memref<1x128xi32, #tpu.memory_space<vmem>>
      %dma_start3A_179 = tpu.memref_squeeze %dma_start3A_178 : memref<1x128xi32, #tpu.memory_space<vmem>> -> memref<128xi32, #tpu.memory_space<vmem>>
      %dma_start3A_180 = arith.constant 0 : i32
      %dma_start3A_181 = arith.constant 0 : i32
      %dma_start3A_182 = tpu.memref_slice %arg12[%dma_start3A_180, %dma_start3A_181] : memref<10000x128xbf16, #tpu.memory_space<vmem_shared>> -> memref<10000x128xbf16, #tpu.memory_space<vmem_shared>>
      tpu.enqueue_indirect_dma source(%arg22 : memref<128x128xbf16, #tpu.memory_space<vmem>>) target(%dma_start3A_182 : memref<10000x128xbf16, #tpu.memory_space<vmem_shared>>) offsets(%dma_start3A_179 : memref<128xi32, #tpu.memory_space<vmem>>) semaphore(%arg29 : memref<!tpu.dma_semaphore, #tpu.memory_space<semaphore_mem>>) {add = true}
      %dma_start3A_183 = arith.constant 0 : i32
      %dma_start3A_184 = tpu.memref_slice %arg17[%scan3A_164, %dma_start3A_183] : memref<26x128xi32, #tpu.memory_space<vmem>> -> memref<1x128xi32, #tpu.memory_space<vmem>>
      %dma_start3A_185 = tpu.memref_squeeze %dma_start3A_184 : memref<1x128xi32, #tpu.memory_space<vmem>> -> memref<128xi32, #tpu.memory_space<vmem>>
      %dma_start3A_186 = arith.constant 0 : i32
      %dma_start3A_187 = arith.constant 0 : i32
      %dma_start3A_188 = tpu.memref_slice %arg13[%dma_start3A_186, %dma_start3A_187] : memref<10000x8xf32, #tpu.memory_space<vmem_shared>> -> memref<10000x8xf32, #tpu.memory_space<vmem_shared>>
      tpu.enqueue_indirect_dma source(%arg25 : memref<128x8xf32, #tpu.memory_space<vmem>>) target(%dma_start3A_188 : memref<10000x8xf32, #tpu.memory_space<vmem_shared>>) offsets(%dma_start3A_185 : memref<128xi32, #tpu.memory_space<vmem>>) semaphore(%arg32 : memref<!tpu.dma_semaphore, #tpu.memory_space<semaphore_mem>>) {add = true}
      %dma_wait3A_189 = arith.constant 0 : i32
      %dma_wait3A_190 = tpu.memref_slice %arg16[%scan3A_164, %dma_wait3A_189] : memref<26x128xi32, #tpu.memory_space<vmem>> -> memref<1x128xi32, #tpu.memory_space<vmem>>
      %dma_wait3A_191 = tpu.memref_squeeze %dma_wait3A_190 : memref<1x128xi32, #tpu.memory_space<vmem>> -> memref<128xi32, #tpu.memory_space<vmem>>
      %dma_wait3A_192 = arith.constant 0 : i32
      %dma_wait3A_193 = arith.constant 0 : i32
      %dma_wait3A_194 = tpu.memref_slice %arg2[%dma_wait3A_192, %dma_wait3A_193] : memref<10000x128xbf16, #tpu.memory_space<hbm>> -> memref<10000x128xbf16, #tpu.memory_space<hbm>>
      tpu.wait_indirect_dma semaphore(%arg27 : memref<!tpu.dma_semaphore, #tpu.memory_space<semaphore_mem>>) src(%dma_wait3A_194 : memref<10000x128xbf16, #tpu.memory_space<hbm>>) dst(%arg23 : memref<128x128xbf16, #tpu.memory_space<vmem>>)
      %dma_start3A_195 = arith.constant 0 : i32
      %dma_start3A_196 = tpu.memref_slice %arg17[%scan3A_164, %dma_start3A_195] : memref<26x128xi32, #tpu.memory_space<vmem>> -> memref<1x128xi32, #tpu.memory_space<vmem>>
      %dma_start3A_197 = tpu.memref_squeeze %dma_start3A_196 : memref<1x128xi32, #tpu.memory_space<vmem>> -> memref<128xi32, #tpu.memory_space<vmem>>
      %dma_start3A_198 = arith.constant 0 : i32
      %dma_start3A_199 = arith.constant 0 : i32
      %dma_start3A_200 = tpu.memref_slice %arg12[%dma_start3A_198, %dma_start3A_199] : memref<10000x128xbf16, #tpu.memory_space<vmem_shared>> -> memref<10000x128xbf16, #tpu.memory_space<vmem_shared>>
      tpu.enqueue_indirect_dma source(%arg23 : memref<128x128xbf16, #tpu.memory_space<vmem>>) target(%dma_start3A_200 : memref<10000x128xbf16, #tpu.memory_space<vmem_shared>>) offsets(%dma_start3A_197 : memref<128xi32, #tpu.memory_space<vmem>>) semaphore(%arg30 : memref<!tpu.dma_semaphore, #tpu.memory_space<semaphore_mem>>) {add = true}
      %dma_start3A_201 = arith.constant 0 : i32
      %dma_start3A_202 = tpu.memref_slice %arg19[%scan3A_164, %dma_start3A_201] : memref<26x128xi32, #tpu.memory_space<vmem>> -> memref<1x128xi32, #tpu.memory_space<vmem>>
      %dma_start3A_203 = tpu.memref_squeeze %dma_start3A_202 : memref<1x128xi32, #tpu.memory_space<vmem>> -> memref<128xi32, #tpu.memory_space<vmem>>
      %dma_start3A_204 = arith.constant 0 : i32
      %dma_start3A_205 = arith.constant 0 : i32
      %dma_start3A_206 = tpu.memref_slice %arg13[%dma_start3A_204, %dma_start3A_205] : memref<10000x8xf32, #tpu.memory_space<vmem_shared>> -> memref<10000x8xf32, #tpu.memory_space<vmem_shared>>
      tpu.enqueue_indirect_dma source(%arg25 : memref<128x8xf32, #tpu.memory_space<vmem>>) target(%dma_start3A_206 : memref<10000x8xf32, #tpu.memory_space<vmem_shared>>) offsets(%dma_start3A_203 : memref<128xi32, #tpu.memory_space<vmem>>) semaphore(%arg32 : memref<!tpu.dma_semaphore, #tpu.memory_space<semaphore_mem>>) {add = true}
      %dma_wait3A_207 = arith.constant 0 : i32
      %dma_wait3A_208 = tpu.memref_slice %arg18[%scan3A_164, %dma_wait3A_207] : memref<26x128xi32, #tpu.memory_space<vmem>> -> memref<1x128xi32, #tpu.memory_space<vmem>>
      %dma_wait3A_209 = tpu.memref_squeeze %dma_wait3A_208 : memref<1x128xi32, #tpu.memory_space<vmem>> -> memref<128xi32, #tpu.memory_space<vmem>>
      %dma_wait3A_210 = arith.constant 0 : i32
      %dma_wait3A_211 = arith.constant 0 : i32
      %dma_wait3A_212 = tpu.memref_slice %arg2[%dma_wait3A_210, %dma_wait3A_211] : memref<10000x128xbf16, #tpu.memory_space<hbm>> -> memref<10000x128xbf16, #tpu.memory_space<hbm>>
      tpu.wait_indirect_dma semaphore(%arg28 : memref<!tpu.dma_semaphore, #tpu.memory_space<semaphore_mem>>) src(%dma_wait3A_212 : memref<10000x128xbf16, #tpu.memory_space<hbm>>) dst(%arg24 : memref<128x128xbf16, #tpu.memory_space<vmem>>)
      %dma_start3A_213 = arith.constant 0 : i32
      %dma_start3A_214 = tpu.memref_slice %arg19[%scan3A_164, %dma_start3A_213] : memref<26x128xi32, #tpu.memory_space<vmem>> -> memref<1x128xi32, #tpu.memory_space<vmem>>
      %dma_start3A_215 = tpu.memref_squeeze %dma_start3A_214 : memref<1x128xi32, #tpu.memory_space<vmem>> -> memref<128xi32, #tpu.memory_space<vmem>>
      %dma_start3A_216 = arith.constant 0 : i32
      %dma_start3A_217 = arith.constant 0 : i32
      %dma_start3A_218 = tpu.memref_slice %arg12[%dma_start3A_216, %dma_start3A_217] : memref<10000x128xbf16, #tpu.memory_space<vmem_shared>> -> memref<10000x128xbf16, #tpu.memory_space<vmem_shared>>
      tpu.enqueue_indirect_dma source(%arg24 : memref<128x128xbf16, #tpu.memory_space<vmem>>) target(%dma_start3A_218 : memref<10000x128xbf16, #tpu.memory_space<vmem_shared>>) offsets(%dma_start3A_215 : memref<128xi32, #tpu.memory_space<vmem>>) semaphore(%arg31 : memref<!tpu.dma_semaphore, #tpu.memory_space<semaphore_mem>>) {add = true}
      %dma_wait3A_219 = arith.constant 0 : i32
      %dma_wait3A_220 = tpu.memref_slice %arg15[%scan3A_164, %dma_wait3A_219] : memref<26x128xi32, #tpu.memory_space<vmem>> -> memref<1x128xi32, #tpu.memory_space<vmem>>
      %dma_wait3A_221 = tpu.memref_squeeze %dma_wait3A_220 : memref<1x128xi32, #tpu.memory_space<vmem>> -> memref<128xi32, #tpu.memory_space<vmem>>
      %dma_wait3A_222 = arith.constant 0 : i32
      %dma_wait3A_223 = arith.constant 0 : i32
      %dma_wait3A_224 = tpu.memref_slice %arg12[%dma_wait3A_222, %dma_wait3A_223] : memref<10000x128xbf16, #tpu.memory_space<vmem_shared>> -> memref<10000x128xbf16, #tpu.memory_space<vmem_shared>>
      tpu.wait_indirect_dma semaphore(%arg29 : memref<!tpu.dma_semaphore, #tpu.memory_space<semaphore_mem>>) src(%arg22 : memref<128x128xbf16, #tpu.memory_space<vmem>>) dst(%dma_wait3A_224 : memref<10000x128xbf16, #tpu.memory_space<vmem_shared>>)
      %lt3A = arith.constant 25 : i32
      %lt3A_225 = arith.cmpi slt, %scan3A_164, %lt3A : i32
      %convert_element_type3A = arith.extui %lt3A_225 : i1 to i32
      %cond3A = arith.constant 0 : i32
      %cond3A_226 = arith.cmpi ne, %convert_element_type3A, %cond3A : i32
      scf.if %cond3A_226 {
        %add3A_267 = arith.constant 1 : i32
        %add3A_268 = arith.addi %scan3A_164, %add3A_267 : i32
        %dma_start3A_269 = arith.constant 0 : i32
        %dma_start3A_270 = tpu.memref_slice %arg14[%add3A_268, %dma_start3A_269] : memref<26x128xi32, #tpu.memory_space<vmem>> -> memref<1x128xi32, #tpu.memory_space<vmem>>
        %dma_start3A_271 = tpu.memref_squeeze %dma_start3A_270 : memref<1x128xi32, #tpu.memory_space<vmem>> -> memref<128xi32, #tpu.memory_space<vmem>>
        %dma_start3A_272 = arith.constant 0 : i32
        %dma_start3A_273 = arith.constant 0 : i32
        %dma_start3A_274 = tpu.memref_slice %arg2[%dma_start3A_272, %dma_start3A_273] : memref<10000x128xbf16, #tpu.memory_space<hbm>> -> memref<10000x128xbf16, #tpu.memory_space<hbm>>
        tpu.enqueue_indirect_dma source(%dma_start3A_274 : memref<10000x128xbf16, #tpu.memory_space<hbm>>) target(%arg22 : memref<128x128xbf16, #tpu.memory_space<vmem>>) offsets(%dma_start3A_271 : memref<128xi32, #tpu.memory_space<vmem>>) semaphore(%arg26 : memref<!tpu.dma_semaphore, #tpu.memory_space<semaphore_mem>>)
      } else {
      }
      %dma_wait3A_227 = arith.constant 0 : i32
      %dma_wait3A_228 = tpu.memref_slice %arg17[%scan3A_164, %dma_wait3A_227] : memref<26x128xi32, #tpu.memory_space<vmem>> -> memref<1x128xi32, #tpu.memory_space<vmem>>
      %dma_wait3A_229 = tpu.memref_squeeze %dma_wait3A_228 : memref<1x128xi32, #tpu.memory_space<vmem>> -> memref<128xi32, #tpu.memory_space<vmem>>
      %dma_wait3A_230 = arith.constant 0 : i32
      %dma_wait3A_231 = arith.constant 0 : i32
      %dma_wait3A_232 = tpu.memref_slice %arg12[%dma_wait3A_230, %dma_wait3A_231] : memref<10000x128xbf16, #tpu.memory_space<vmem_shared>> -> memref<10000x128xbf16, #tpu.memory_space<vmem_shared>>
      tpu.wait_indirect_dma semaphore(%arg30 : memref<!tpu.dma_semaphore, #tpu.memory_space<semaphore_mem>>) src(%arg23 : memref<128x128xbf16, #tpu.memory_space<vmem>>) dst(%dma_wait3A_232 : memref<10000x128xbf16, #tpu.memory_space<vmem_shared>>)
      %lt3A_233 = arith.constant 25 : i32
      %lt3A_234 = arith.cmpi slt, %scan3A_164, %lt3A_233 : i32
      %convert_element_type3A_235 = arith.extui %lt3A_234 : i1 to i32
      %cond3A_236 = arith.constant 0 : i32
      %cond3A_237 = arith.cmpi ne, %convert_element_type3A_235, %cond3A_236 : i32
      scf.if %cond3A_237 {
        %add3A_267 = arith.constant 1 : i32
        %add3A_268 = arith.addi %scan3A_164, %add3A_267 : i32
        %dma_start3A_269 = arith.constant 0 : i32
        %dma_start3A_270 = tpu.memref_slice %arg16[%add3A_268, %dma_start3A_269] : memref<26x128xi32, #tpu.memory_space<vmem>> -> memref<1x128xi32, #tpu.memory_space<vmem>>
        %dma_start3A_271 = tpu.memref_squeeze %dma_start3A_270 : memref<1x128xi32, #tpu.memory_space<vmem>> -> memref<128xi32, #tpu.memory_space<vmem>>
        %dma_start3A_272 = arith.constant 0 : i32
        %dma_start3A_273 = arith.constant 0 : i32
        %dma_start3A_274 = tpu.memref_slice %arg2[%dma_start3A_272, %dma_start3A_273] : memref<10000x128xbf16, #tpu.memory_space<hbm>> -> memref<10000x128xbf16, #tpu.memory_space<hbm>>
        tpu.enqueue_indirect_dma source(%dma_start3A_274 : memref<10000x128xbf16, #tpu.memory_space<hbm>>) target(%arg23 : memref<128x128xbf16, #tpu.memory_space<vmem>>) offsets(%dma_start3A_271 : memref<128xi32, #tpu.memory_space<vmem>>) semaphore(%arg27 : memref<!tpu.dma_semaphore, #tpu.memory_space<semaphore_mem>>)
      } else {
      }
      %dma_wait3A_238 = arith.constant 0 : i32
      %dma_wait3A_239 = tpu.memref_slice %arg19[%scan3A_164, %dma_wait3A_238] : memref<26x128xi32, #tpu.memory_space<vmem>> -> memref<1x128xi32, #tpu.memory_space<vmem>>
      %dma_wait3A_240 = tpu.memref_squeeze %dma_wait3A_239 : memref<1x128xi32, #tpu.memory_space<vmem>> -> memref<128xi32, #tpu.memory_space<vmem>>
      %dma_wait3A_241 = arith.constant 0 : i32
      %dma_wait3A_242 = arith.constant 0 : i32
      %dma_wait3A_243 = tpu.memref_slice %arg12[%dma_wait3A_241, %dma_wait3A_242] : memref<10000x128xbf16, #tpu.memory_space<vmem_shared>> -> memref<10000x128xbf16, #tpu.memory_space<vmem_shared>>
      tpu.wait_indirect_dma semaphore(%arg31 : memref<!tpu.dma_semaphore, #tpu.memory_space<semaphore_mem>>) src(%arg24 : memref<128x128xbf16, #tpu.memory_space<vmem>>) dst(%dma_wait3A_243 : memref<10000x128xbf16, #tpu.memory_space<vmem_shared>>)
      %lt3A_244 = arith.constant 25 : i32
      %lt3A_245 = arith.cmpi slt, %scan3A_164, %lt3A_244 : i32
      %convert_element_type3A_246 = arith.extui %lt3A_245 : i1 to i32
      %cond3A_247 = arith.constant 0 : i32
      %cond3A_248 = arith.cmpi ne, %convert_element_type3A_246, %cond3A_247 : i32
      scf.if %cond3A_248 {
        %add3A_267 = arith.constant 1 : i32
        %add3A_268 = arith.addi %scan3A_164, %add3A_267 : i32
        %dma_start3A_269 = arith.constant 0 : i32
        %dma_start3A_270 = tpu.memref_slice %arg18[%add3A_268, %dma_start3A_269] : memref<26x128xi32, #tpu.memory_space<vmem>> -> memref<1x128xi32, #tpu.memory_space<vmem>>
        %dma_start3A_271 = tpu.memref_squeeze %dma_start3A_270 : memref<1x128xi32, #tpu.memory_space<vmem>> -> memref<128xi32, #tpu.memory_space<vmem>>
        %dma_start3A_272 = arith.constant 0 : i32
        %dma_start3A_273 = arith.constant 0 : i32
        %dma_start3A_274 = tpu.memref_slice %arg2[%dma_start3A_272, %dma_start3A_273] : memref<10000x128xbf16, #tpu.memory_space<hbm>> -> memref<10000x128xbf16, #tpu.memory_space<hbm>>
        tpu.enqueue_indirect_dma source(%dma_start3A_274 : memref<10000x128xbf16, #tpu.memory_space<hbm>>) target(%arg24 : memref<128x128xbf16, #tpu.memory_space<vmem>>) offsets(%dma_start3A_271 : memref<128xi32, #tpu.memory_space<vmem>>) semaphore(%arg28 : memref<!tpu.dma_semaphore, #tpu.memory_space<semaphore_mem>>)
      } else {
      }
      %dma_wait3A_249 = arith.constant 0 : i32
      %dma_wait3A_250 = tpu.memref_slice %arg15[%scan3A_164, %dma_wait3A_249] : memref<26x128xi32, #tpu.memory_space<vmem>> -> memref<1x128xi32, #tpu.memory_space<vmem>>
      %dma_wait3A_251 = tpu.memref_squeeze %dma_wait3A_250 : memref<1x128xi32, #tpu.memory_space<vmem>> -> memref<128xi32, #tpu.memory_space<vmem>>
      %dma_wait3A_252 = arith.constant 0 : i32
      %dma_wait3A_253 = arith.constant 0 : i32
      %dma_wait3A_254 = tpu.memref_slice %arg13[%dma_wait3A_252, %dma_wait3A_253] : memref<10000x8xf32, #tpu.memory_space<vmem_shared>> -> memref<10000x8xf32, #tpu.memory_space<vmem_shared>>
      tpu.wait_indirect_dma semaphore(%arg32 : memref<!tpu.dma_semaphore, #tpu.memory_space<semaphore_mem>>) src(%arg25 : memref<128x8xf32, #tpu.memory_space<vmem>>) dst(%dma_wait3A_254 : memref<10000x8xf32, #tpu.memory_space<vmem_shared>>)
      %dma_wait3A_255 = arith.constant 0 : i32
      %dma_wait3A_256 = tpu.memref_slice %arg17[%scan3A_164, %dma_wait3A_255] : memref<26x128xi32, #tpu.memory_space<vmem>> -> memref<1x128xi32, #tpu.memory_space<vmem>>
      %dma_wait3A_257 = tpu.memref_squeeze %dma_wait3A_256 : memref<1x128xi32, #tpu.memory_space<vmem>> -> memref<128xi32, #tpu.memory_space<vmem>>
      %dma_wait3A_258 = arith.constant 0 : i32
      %dma_wait3A_259 = arith.constant 0 : i32
      %dma_wait3A_260 = tpu.memref_slice %arg13[%dma_wait3A_258, %dma_wait3A_259] : memref<10000x8xf32, #tpu.memory_space<vmem_shared>> -> memref<10000x8xf32, #tpu.memory_space<vmem_shared>>
      tpu.wait_indirect_dma semaphore(%arg32 : memref<!tpu.dma_semaphore, #tpu.memory_space<semaphore_mem>>) src(%arg25 : memref<128x8xf32, #tpu.memory_space<vmem>>) dst(%dma_wait3A_260 : memref<10000x8xf32, #tpu.memory_space<vmem_shared>>)
      %dma_wait3A_261 = arith.constant 0 : i32
      %dma_wait3A_262 = tpu.memref_slice %arg19[%scan3A_164, %dma_wait3A_261] : memref<26x128xi32, #tpu.memory_space<vmem>> -> memref<1x128xi32, #tpu.memory_space<vmem>>
      %dma_wait3A_263 = tpu.memref_squeeze %dma_wait3A_262 : memref<1x128xi32, #tpu.memory_space<vmem>> -> memref<128xi32, #tpu.memory_space<vmem>>
      %dma_wait3A_264 = arith.constant 0 : i32
      %dma_wait3A_265 = arith.constant 0 : i32
      %dma_wait3A_266 = tpu.memref_slice %arg13[%dma_wait3A_264, %dma_wait3A_265] : memref<10000x8xf32, #tpu.memory_space<vmem_shared>> -> memref<10000x8xf32, #tpu.memory_space<vmem_shared>>
      tpu.wait_indirect_dma semaphore(%arg32 : memref<!tpu.dma_semaphore, #tpu.memory_space<semaphore_mem>>) src(%arg25 : memref<128x8xf32, #tpu.memory_space<vmem>>) dst(%dma_wait3A_266 : memref<10000x8xf32, #tpu.memory_space<vmem_shared>>)
    }
    %scan3A_118 = arith.constant 26 : i32
    %dma_start3A_119 = arith.constant 0 : i32
    %dma_start3A_120 = arith.constant 0 : i32
    %dma_start3A_121 = tpu.memref_slice %arg25[%dma_start3A_119, %dma_start3A_120] : memref<128x8xf32, #tpu.memory_space<vmem>> -> memref<16x8xf32, #tpu.memory_space<vmem>>
    %dma_start3A_122 = arith.constant 0 : i32
    %dma_start3A_123 = arith.constant 0 : i32
    %dma_start3A_124 = tpu.memref_slice %arg13[%dma_start3A_122, %dma_start3A_123] : memref<10000x8xf32, #tpu.memory_space<vmem_shared>> -> memref<10000x8xf32, #tpu.memory_space<vmem_shared>>
    tpu.enqueue_indirect_dma source(%dma_start3A_121 : memref<16x8xf32, #tpu.memory_space<vmem>>) target(%dma_start3A_124 : memref<10000x8xf32, #tpu.memory_space<vmem_shared>>) offsets(%arg21 : memref<16xi32, #tpu.memory_space<vmem>>) semaphore(%arg32 : memref<!tpu.dma_semaphore, #tpu.memory_space<semaphore_mem>>) {add = true}
    %dma_start3A_125 = arith.constant 0 : i32
    %dma_start3A_126 = arith.constant 0 : i32
    %dma_start3A_127 = tpu.memref_slice %arg22[%dma_start3A_125, %dma_start3A_126] : memref<128x128xbf16, #tpu.memory_space<vmem>> -> memref<16x128xbf16, #tpu.memory_space<vmem>>
    %dma_start3A_128 = arith.constant 0 : i32
    %dma_start3A_129 = arith.constant 0 : i32
    %dma_start3A_130 = tpu.memref_slice %arg2[%dma_start3A_128, %dma_start3A_129] : memref<10000x128xbf16, #tpu.memory_space<hbm>> -> memref<10000x128xbf16, #tpu.memory_space<hbm>>
    tpu.enqueue_indirect_dma source(%dma_start3A_130 : memref<10000x128xbf16, #tpu.memory_space<hbm>>) target(%dma_start3A_127 : memref<16x128xbf16, #tpu.memory_space<vmem>>) offsets(%arg20 : memref<16xi32, #tpu.memory_space<vmem>>) semaphore(%arg26 : memref<!tpu.dma_semaphore, #tpu.memory_space<semaphore_mem>>)
    %dma_wait3A_131 = arith.constant 0 : i32
    %dma_wait3A_132 = arith.constant 0 : i32
    %dma_wait3A_133 = tpu.memref_slice %arg22[%dma_wait3A_131, %dma_wait3A_132] : memref<128x128xbf16, #tpu.memory_space<vmem>> -> memref<16x128xbf16, #tpu.memory_space<vmem>>
    %dma_wait3A_134 = arith.constant 0 : i32
    %dma_wait3A_135 = arith.constant 0 : i32
    %dma_wait3A_136 = tpu.memref_slice %arg2[%dma_wait3A_134, %dma_wait3A_135] : memref<10000x128xbf16, #tpu.memory_space<hbm>> -> memref<10000x128xbf16, #tpu.memory_space<hbm>>
    tpu.wait_indirect_dma semaphore(%arg26 : memref<!tpu.dma_semaphore, #tpu.memory_space<semaphore_mem>>) src(%dma_wait3A_136 : memref<10000x128xbf16, #tpu.memory_space<hbm>>) dst(%dma_wait3A_133 : memref<16x128xbf16, #tpu.memory_space<vmem>>)
    "tpu.region"() ({
      %run_scoped3A = tpu.sem_alloc : memref<!tpu.dma_semaphore, #tpu.memory_space<semaphore_mem>>
      %dma_start3A_164 = arith.constant 0 : i32
      %dma_start3A_165 = arith.constant 0 : i32
      %dma_start3A_166 = tpu.memref_slice %arg22[%dma_start3A_164, %dma_start3A_165] : memref<128x128xbf16, #tpu.memory_space<vmem>> -> memref<16x128xbf16, #tpu.memory_space<vmem>>
      %dma_start3A_167 = arith.constant 0 : i32
      %dma_start3A_168 = arith.constant 0 : i32
      %dma_start3A_169 = tpu.memref_slice %arg12[%dma_start3A_167, %dma_start3A_168] : memref<10000x128xbf16, #tpu.memory_space<vmem_shared>> -> memref<10000x128xbf16, #tpu.memory_space<vmem_shared>>
      tpu.enqueue_indirect_dma source(%dma_start3A_166 : memref<16x128xbf16, #tpu.memory_space<vmem>>) target(%dma_start3A_169 : memref<10000x128xbf16, #tpu.memory_space<vmem_shared>>) offsets(%arg21 : memref<16xi32, #tpu.memory_space<vmem>>) semaphore(%run_scoped3A : memref<!tpu.dma_semaphore, #tpu.memory_space<semaphore_mem>>) {add = true}
      %dma_wait3A_170 = arith.constant 0 : i32
      %dma_wait3A_171 = arith.constant 0 : i32
      %dma_wait3A_172 = tpu.memref_slice %arg22[%dma_wait3A_170, %dma_wait3A_171] : memref<128x128xbf16, #tpu.memory_space<vmem>> -> memref<16x128xbf16, #tpu.memory_space<vmem>>
      %dma_wait3A_173 = arith.constant 0 : i32
      %dma_wait3A_174 = arith.constant 0 : i32
      %dma_wait3A_175 = tpu.memref_slice %arg12[%dma_wait3A_173, %dma_wait3A_174] : memref<10000x128xbf16, #tpu.memory_space<vmem_shared>> -> memref<10000x128xbf16, #tpu.memory_space<vmem_shared>>
      tpu.wait_indirect_dma semaphore(%run_scoped3A : memref<!tpu.dma_semaphore, #tpu.memory_space<semaphore_mem>>) src(%dma_wait3A_172 : memref<16x128xbf16, #tpu.memory_space<vmem>>) dst(%dma_wait3A_175 : memref<10000x128xbf16, #tpu.memory_space<vmem_shared>>)
      tpu.yield
    }) : () -> ()
    %dma_wait3A_137 = arith.constant 0 : i32
    %dma_wait3A_138 = arith.constant 0 : i32
    %dma_wait3A_139 = tpu.memref_slice %arg25[%dma_wait3A_137, %dma_wait3A_138] : memref<128x8xf32, #tpu.memory_space<vmem>> -> memref<16x8xf32, #tpu.memory_space<vmem>>
    %dma_wait3A_140 = arith.constant 0 : i32
    %dma_wait3A_141 = arith.constant 0 : i32
    %dma_wait3A_142 = tpu.memref_slice %arg13[%dma_wait3A_140, %dma_wait3A_141] : memref<10000x8xf32, #tpu.memory_space<vmem_shared>> -> memref<10000x8xf32, #tpu.memory_space<vmem_shared>>
    tpu.wait_indirect_dma semaphore(%arg32 : memref<!tpu.dma_semaphore, #tpu.memory_space<semaphore_mem>>) src(%dma_wait3A_139 : memref<16x8xf32, #tpu.memory_space<vmem>>) dst(%dma_wait3A_142 : memref<10000x8xf32, #tpu.memory_space<vmem_shared>>)
    %barrier3A_143 = arith.constant 0 : index
    tpu.barrier barrier_id(%barrier3A_143)
    %dma_start3A_144 = arith.constant 0 : i32
    %dma_start3A_145 = tpu.memref_slice %arg10[%arg0, %mul3A_2, %dma_start3A_144] : memref<2x10000x128xbf16, #tpu.memory_space<hbm>> -> memref<1x625x128xbf16, #tpu.memory_space<hbm>>
    %dma_start3A_146 = tpu.memref_squeeze %dma_start3A_145 : memref<1x625x128xbf16, #tpu.memory_space<hbm>> -> memref<625x128xbf16, #tpu.memory_space<hbm>>
    %dma_start3A_147 = arith.constant 0 : i32
    %dma_start3A_148 = tpu.memref_slice %arg12[%mul3A_2, %dma_start3A_147] : memref<10000x128xbf16, #tpu.memory_space<vmem_shared>> -> memref<625x128xbf16, #tpu.memory_space<vmem_shared>>
    tpu.enqueue_dma source(%dma_start3A_148 : memref<625x128xbf16, #tpu.memory_space<vmem_shared>>) target(%dma_start3A_146 : memref<625x128xbf16, #tpu.memory_space<hbm>>) target_semaphore(%arg29 : memref<!tpu.dma_semaphore, #tpu.memory_space<semaphore_mem>>)
    %dma_start3A_149 = arith.constant 0 : i32
    %dma_start3A_150 = tpu.memref_slice %arg11[%arg0, %mul3A_2, %dma_start3A_149] : memref<2x10000x8xf32, #tpu.memory_space<hbm>> -> memref<1x625x8xf32, #tpu.memory_space<hbm>>
    %dma_start3A_151 = tpu.memref_squeeze %dma_start3A_150 : memref<1x625x8xf32, #tpu.memory_space<hbm>> -> memref<625x8xf32, #tpu.memory_space<hbm>>
    %dma_start3A_152 = arith.constant 0 : i32
    %dma_start3A_153 = tpu.memref_slice %arg13[%mul3A_2, %dma_start3A_152] : memref<10000x8xf32, #tpu.memory_space<vmem_shared>> -> memref<625x8xf32, #tpu.memory_space<vmem_shared>>
    tpu.enqueue_dma source(%dma_start3A_153 : memref<625x8xf32, #tpu.memory_space<vmem_shared>>) target(%dma_start3A_151 : memref<625x8xf32, #tpu.memory_space<hbm>>) target_semaphore(%arg30 : memref<!tpu.dma_semaphore, #tpu.memory_space<semaphore_mem>>)
    %dma_wait3A_154 = arith.constant 0 : i32
    %dma_wait3A_155 = tpu.memref_slice %arg10[%arg0, %mul3A_2, %dma_wait3A_154] : memref<2x10000x128xbf16, #tpu.memory_space<hbm>> -> memref<1x625x128xbf16, #tpu.memory_space<hbm>>
    %dma_wait3A_156 = tpu.memref_squeeze %dma_wait3A_155 : memref<1x625x128xbf16, #tpu.memory_space<hbm>> -> memref<625x128xbf16, #tpu.memory_space<hbm>>
    %dma_wait3A_157 = arith.constant 0 : i32
    %dma_wait3A_158 = tpu.memref_slice %arg12[%mul3A_2, %dma_wait3A_157] : memref<10000x128xbf16, #tpu.memory_space<vmem_shared>> -> memref<625x128xbf16, #tpu.memory_space<vmem_shared>>
    tpu.wait_dma2 semaphore(%arg29 : memref<!tpu.dma_semaphore, #tpu.memory_space<semaphore_mem>>) src(%dma_wait3A_158 : memref<625x128xbf16, #tpu.memory_space<vmem_shared>>) dst(%dma_wait3A_156 : memref<625x128xbf16, #tpu.memory_space<hbm>>)
    %dma_wait3A_159 = arith.constant 0 : i32
    %dma_wait3A_160 = tpu.memref_slice %arg11[%arg0, %mul3A_2, %dma_wait3A_159] : memref<2x10000x8xf32, #tpu.memory_space<hbm>> -> memref<1x625x8xf32, #tpu.memory_space<hbm>>
    %dma_wait3A_161 = tpu.memref_squeeze %dma_wait3A_160 : memref<1x625x8xf32, #tpu.memory_space<hbm>> -> memref<625x8xf32, #tpu.memory_space<hbm>>
    %dma_wait3A_162 = arith.constant 0 : i32
    %dma_wait3A_163 = tpu.memref_slice %arg13[%mul3A_2, %dma_wait3A_162] : memref<10000x8xf32, #tpu.memory_space<vmem_shared>> -> memref<625x8xf32, #tpu.memory_space<vmem_shared>>
    tpu.wait_dma2 semaphore(%arg30 : memref<!tpu.dma_semaphore, #tpu.memory_space<semaphore_mem>>) src(%dma_wait3A_163 : memref<625x8xf32, #tpu.memory_space<vmem_shared>>) dst(%dma_wait3A_161 : memref<625x8xf32, #tpu.memory_space<hbm>>)
    return
  }
}

module attributes {stable_mosaic.version = 14 : i64} {
  func.func @_tc_body(%arg0: i32, %arg1: memref<2x2000x128xbf16, #tpu.memory_space<vmem>>, %arg2: memref<2x2000x8xf32, #tpu.memory_space<vmem>>, %arg3: memref<2000x128xf32, #tpu.memory_space<vmem>>, %arg4: memref<128x128xf32, #tpu.memory_space<vmem>>, %arg5: memref<1x128xf32, #tpu.memory_space<vmem>>, %arg6: memref<2000x128xf32, #tpu.memory_space<vmem>>) attributes {dimension_semantics = [#tpu.dimension_semantics<arbitrary>], iteration_bounds = array<i64: 5>, scalar_prefetch = 0 : i64, scratch_operands = 0 : i64, tpu.core_type = #tpu.core_type<tc>, window_params = [{transform_indices = @transform_0, window_bounds = array<i64: 2, 2000, 128>}, {transform_indices = @transform_1, window_bounds = array<i64: 2, 2000, 8>}, {transform_indices = @transform_2, window_bounds = array<i64: 2000, 128>}, {pipeline_mode = #tpu.pipeline_mode<synchronous>, transform_indices = @transform_3, window_bounds = array<i64: 128, 128>}, {pipeline_mode = #tpu.pipeline_mode<synchronous>, transform_indices = @transform_4, window_bounds = array<i64: 1, 128>}, {transform_indices = @transform_5, window_bounds = array<i64: 2000, 128>}]} {
    %get3A = arith.constant 0 : index
    %get3A_0 = arith.constant 0 : index
    %get3A_1 = arith.constant 0 : index
    %get3A_2 = vector.load %arg1[%get3A, %get3A_0, %get3A_1] : memref<2x2000x128xbf16, #tpu.memory_space<vmem>>, vector<1x2000x128xbf16>
    %get3A_3 = vector.shape_cast %get3A_2 : vector<1x2000x128xbf16> to vector<2000x128xbf16>
    %convert_element_type3A = arith.extf %get3A_3 : vector<2000x128xbf16> to vector<2000x128xf32>
    %get3A_4 = arith.constant 1 : index
    %get3A_5 = arith.constant 0 : index
    %get3A_6 = arith.constant 0 : index
    %get3A_7 = vector.load %arg1[%get3A_4, %get3A_5, %get3A_6] : memref<2x2000x128xbf16, #tpu.memory_space<vmem>>, vector<1x2000x128xbf16>
    %get3A_8 = vector.shape_cast %get3A_7 : vector<1x2000x128xbf16> to vector<2000x128xbf16>
    %convert_element_type3A_9 = arith.extf %get3A_8 : vector<2000x128xbf16> to vector<2000x128xf32>
    %add3A = arith.addf %convert_element_type3A, %convert_element_type3A_9 : vector<2000x128xf32>
    %get3A_10 = arith.constant 0 : index
    %get3A_11 = arith.constant 0 : index
    %get3A_12 = vector.load %arg3[%get3A_10, %get3A_11] : memref<2000x128xf32, #tpu.memory_space<vmem>>, vector<2000x128xf32>
    %add3A_13 = arith.addf %add3A, %get3A_12 : vector<2000x128xf32>
    %get3A_14 = arith.constant 0 : index
    %get3A_15 = arith.constant 0 : index
    %get3A_16 = vector.load %arg4[%get3A_14, %get3A_15] : memref<128x128xf32, #tpu.memory_space<vmem>>, vector<128x128xf32>
    %dot_general3A = arith.constant dense<0.000000e+00> : vector<2000x128xf32>
    %dot_general3A_17 = tpu.matmul %add3A_13, %get3A_16, %dot_general3A {dimension_numbers = #tpu.dot_dimension_numbers<[1], [1], [0], [0], [0, 0, 1, 0], [], []>, transpose_lhs_hint = false} : vector<2000x128xf32>, vector<128x128xf32>, vector<2000x128xf32> -> vector<2000x128xf32>
    %get3A_18 = arith.constant 0 : index
    %get3A_19 = arith.constant 0 : index
    %get3A_20 = arith.constant 0 : index
    %get3A_21 = vector.load %arg2[%get3A_18, %get3A_19, %get3A_20] : memref<2x2000x8xf32, #tpu.memory_space<vmem>>, vector<1x2000x1xf32>
    %get3A_22 = vector.shape_cast %get3A_21 : vector<1x2000x1xf32> to vector<2000x1xf32>
    %get3A_23 = arith.constant 1 : index
    %get3A_24 = arith.constant 0 : index
    %get3A_25 = arith.constant 0 : index
    %get3A_26 = vector.load %arg2[%get3A_23, %get3A_24, %get3A_25] : memref<2x2000x8xf32, #tpu.memory_space<vmem>>, vector<1x2000x1xf32>
    %get3A_27 = vector.shape_cast %get3A_26 : vector<1x2000x1xf32> to vector<2000x1xf32>
    %add3A_28 = arith.addf %get3A_22, %get3A_27 : vector<2000x1xf32>
    %add3A_29 = arith.constant 1.000000e+00 : f32
    %add3A_30 = vector.broadcast %add3A_29 : f32 to vector<2000x1xf32>
    %add3A_31 = arith.addf %add3A_28, %add3A_30 : vector<2000x1xf32>
    %get3A_32 = arith.constant 0 : index
    %get3A_33 = arith.constant 0 : index
    %get3A_34 = vector.load %arg5[%get3A_32, %get3A_33] : memref<1x128xf32, #tpu.memory_space<vmem>>, vector<1x128xf32>
    %mul3A = vector.broadcast %add3A_31 : vector<2000x1xf32> to vector<2000x128xf32>
    %mul3A_35 = vector.broadcast %get3A_34 : vector<1x128xf32> to vector<2000x128xf32>
    %mul3A_36 = arith.mulf %mul3A, %mul3A_35 : vector<2000x128xf32>
    %add3A_37 = arith.addf %dot_general3A_17, %mul3A_36 : vector<2000x128xf32>
    %swap3A = arith.constant 0 : index
    %swap3A_38 = arith.constant 0 : index
    %swap3A_39 = vector.load %arg6[%swap3A, %swap3A_38] : memref<2000x128xf32, #tpu.memory_space<vmem>>, vector<2000x128xf32>
    tpu.vector_store %arg6[%swap3A, %swap3A_38], %add3A_37 {strides = array<i32>} : memref<2000x128xf32, #tpu.memory_space<vmem>>, vector<2000x128xf32>,
    return
  }
  func.func @transform_0(%arg0: i32) -> (i32, i32, i32) {
    %c0_i32 = arith.constant 0 : i32
    %c0_i32_0 = arith.constant 0 : i32
    %c0_i32_1 = arith.constant 0 : i32
    return %c0_i32, %arg0, %c0_i32_0 : i32, i32, i32
  }
  func.func @transform_1(%arg0: i32) -> (i32, i32, i32) {
    %c0_i32 = arith.constant 0 : i32
    %c0_i32_0 = arith.constant 0 : i32
    %c0_i32_1 = arith.constant 0 : i32
    return %c0_i32, %arg0, %c0_i32_0 : i32, i32, i32
  }
  func.func @transform_2(%arg0: i32) -> (i32, i32) {
    %c0_i32 = arith.constant 0 : i32
    %c0_i32_0 = arith.constant 0 : i32
    return %arg0, %c0_i32 : i32, i32
  }
  func.func @transform_3(%arg0: i32) -> (i32, i32) {
    %c0_i32 = arith.constant 0 : i32
    %c0_i32_0 = arith.constant 0 : i32
    %c0_i32_1 = arith.constant 0 : i32
    return %c0_i32, %c0_i32_0 : i32, i32
  }
  func.func @transform_4(%arg0: i32) -> (i32, i32) {
    %c0_i32 = arith.constant 0 : i32
    %c0_i32_0 = arith.constant 0 : i32
    %c0_i32_1 = arith.constant 0 : i32
    return %c0_i32, %c0_i32_0 : i32, i32
  }
  func.func @transform_5(%arg0: i32) -> (i32, i32) {
    %c0_i32 = arith.constant 0 : i32
    %c0_i32_0 = arith.constant 0 : i32
    return %arg0, %c0_i32 : i32, i32
  }
}

</mosaic_0001>

<sc_bundles>
// kernel: kernel.4.cloned.1.call-start
scs
__scs_entry_jumppad:
0x0: {  	(pc) =	sbr.rel $0x88, $3  }
0x1: {  	(tag) =	ssettag $0x0;
	lr =	simm.s32 $0x1  }
0x2: {  	[smem:$0x3F9D] =	sst lr;
	_ =	strace $0xD0000000  }
0x3: {  	_ = 	snop  }
0x4: {  	_ = 	snop  }
0x5: {  	_ = 	snop  }
0x6: {  	_ = 	snop  }
0x7: {  	_ = 	snop  }
__scs_overlays_trampoline_lowered:
0x8: {  	[smem:$0x3FAC] =	sst s0  }
0x9: {  	[smem:$0x3FAD] =	sst s1  }
0xa: {  	[smem:$0x3FAE] =	sst s2  }
0xb: {  	[smem:$0x3FAF] =	sst s3  }
0xc: {  	[smem:$0x3FB0] =	sst s4  }
0xd: {  	[smem:$0x3FB1] =	sst s5  }
0xe: {  	[smem:$0x3FB2] =	sst s6  }
0xf: {  	[smem:$0x3FB3] =	sst s7  }
0x10: {  	[smem:$0x3FB4] =	sst s8  }
0x11: {  	[smem:$0x3FB5] =	sst s9;
	s0 =	simm.s32 @!p0 $0x0  }
0x12: {  	s1 =	sld [smem:$0x3F9B];
	s0 =	simm.s32 @p0 $0x1  }
0x13: {  	[smem:$0x3FB6] =	sst s0;
	s0 =	simm.s32 @!p1 $0x0  }
0x14: {  	s2 =	sld [smem:$0x3F9A];
	s0 =	simm.s32 @p1 $0x1  }
0x15: {  	[smem:$0x3FB7] =	sst s0;
	s0 =	simm.s32 @!p2 $0x0  }
0x16: {  	s3 =	sld [smem:$0x3FDB];
	s0 =	simm.s32 @p2 $0x1  }
0x17: {  	s4 =	simm.s32 $0x1BF5;
	[smem:$0x3FB9] =	sst s0  }
0x18: {  	s0 =	sld [smem:$0x3F9C];
	_ =	swait.ge [sflag:s4], $0x0  }
0x19: {  	s7 =	sld [smem:$0x3F9D]  }
0x1a: {  	s8 =	sadd.s32 $0xFFFFE003, lr  }
0x1b: {  	s9 =	sadd.s32 $0xFFFFFEF7, lr;
	s5 =	simm.s32 $0xFFFFFFFF;
	p2 =	slt.u32 s8, $0xFFFFF086  }
0x1c: {  	p1 =	slt.u32 s9, $0xF7A;
	s5 =	simm.s32 @!p2 $0x0  }
0x1d: {  	s5 =	simm.s32 @p1 $0x1;
	p0 =	seq.s32 s7, s2  }
0x1e: {  	s7 =	smul.u32 @!p0 $0xF7A, s2;
	p2 =	seq.s32 @!p0 s5, $0x0  }
0x1f: {  	s9 =	smul.u32 $0xF7A, s1;
	s8 =	simm.s32 @!p0 $0x1BF5;
	p2 =	por !p2, p0  }
0x20: {  	[sflag:s8] =	ssyncset.s32 @!p0 $0xFFFFF086;
	s6 =	sadd.s32 @!p0 s3, s7;
	s7 =	simm.s32 @!p0 $0x108  }
0x21: {  	s3 =	sadd.s32 s3, s9;
	s6 =	sadd.s32 @!p0 $0x88, s6;
	s7 =	simm.s32 @p2 $0x1082  }
0x22: {  	[simem:s7], [sflag:s8] =	dma.local @!p0 [hbm:s6], $0xF7A  }
0x23: {  	s9 =	sor.u32 $0xD0000000, s2;
	s6 =	simm.s32 $0x108;
	_ =	swait.ge @!p0 [sflag:s8], $0x0  }
0x24: {  	s3 =	sadd.s32 $0x88, s3;
	s6 =	simm.s32 @!p1 $0x1082;
	[sflag:s4] =	ssyncset.s32 $0xFFFFF086  }
0x25: {  	[simem:s6], [sflag:s4] =	dma.local [hbm:s3], $0xF7A  }
0x26: {  	[smem:$0x3F9D] =	sst s1;
	(tag) =	ssettag s2;
	_ =	strace s9  }
0x27: {  	s1 =	sld [smem:$0x3FAD]  }
0x28: {  	s2 =	sld [smem:$0x3FAE]  }
0x29: {  	s4 =	sld [smem:$0x3FB0]  }
0x2a: {  	p0 =	seq.s32 s5, $0x0;
	s5 =	sld [smem:$0x3FB1]  }
0x2b: {  	s6 =	sld [smem:$0x3FB2]  }
0x2c: {  	s7 =	sld [smem:$0x3FB3]  }
0x2d: {  	s3 =	simm.s32 $0x108;
	s8 =	sld [smem:$0x3FB4]  }
0x2e: {  	s3 =	simm.s32 @!p0 $0x1082;
	s9 =	sld [smem:$0x3FB5]  }
0x2f: {  	lr =	sadd.s32 s0, s3;
	s0 =	sld [smem:$0x3FAC]  }
0x30: {  	s3 =	sld [smem:$0x3FAF]  }
0x31: {  	[smem:$0x3FB8] =	sst s10  }
0x32: {  	s10 =	sld [smem:$0x3FB6];
	_ =	sdelay $0x3  }
0x33: {  	p0 =	seq.s32 s10, $0x1;
	s10 =	sld [smem:$0x3FB8];
	_ =	sdelay $0x3  }
0x34: {  	[smem:$0x3FB8] =	sst s10  }
0x35: {  	s10 =	sld [smem:$0x3FB7];
	_ =	sdelay $0x3  }
0x36: {  	p1 =	seq.s32 s10, $0x1;
	s10 =	sld [smem:$0x3FB8];
	_ =	sdelay $0x3  }
0x37: {  	[smem:$0x3FB8] =	sst s10  }
0x38: {  	s10 =	sld [smem:$0x3FB9]  }
0x39: {  	_ = 	snop;
	(pc) =	sbr.ind lr, $3  }
0x3a: {  	_ = 	snop  }
0x3b: {  	_ = 	snop  }
0x3c: {  	p2 =	seq.s32 s10, $0x1;
	s10 =	sld [smem:$0x3FB8]  }
0x3d: {  	_ =	shalt  }
0x3e: {  	_ =	shalt  }
0x3f: {  	_ =	shalt  }
0x40: {  	_ =	shalt  }
0x41: {  	_ =	shalt  }
0x42: {  	_ =	shalt  }
0x43: {  	_ =	shalt  }
0x44: {  	_ =	shalt  }
0x45: {  	_ =	shalt  }
0x46: {  	_ =	shalt  }
0x47: {  	_ =	shalt  }
0x48: {  	_ =	shalt  }
0x49: {  	_ =	shalt  }
0x4a: {  	_ =	shalt  }
0x4b: {  	_ =	shalt  }
0x4c: {  	_ =	shalt  }
0x4d: {  	_ =	shalt  }
0x4e: {  	_ =	shalt  }
0x4f: {  	_ =	shalt  }
0x50: {  	_ =	shalt  }
0x51: {  	_ =	shalt  }
0x52: {  	_ =	shalt  }
0x53: {  	_ =	shalt  }
0x54: {  	_ =	shalt  }
0x55: {  	_ =	shalt  }
0x56: {  	_ =	shalt  }
0x57: {  	_ =	shalt  }
0x58: {  	_ =	shalt  }
0x59: {  	_ =	shalt  }
0x5a: {  	_ =	shalt  }
0x5b: {  	_ =	shalt  }
0x5c: {  	_ =	shalt  }
0x5d: {  	_ =	shalt  }
0x5e: {  	_ =	shalt  }
0x5f: {  	_ =	shalt  }
0x60: {  	_ =	shalt  }
0x61: {  	_ =	shalt  }
0x62: {  	_ =	shalt  }
0x63: {  	_ =	shalt  }
0x64: {  	_ =	shalt  }
0x65: {  	_ =	shalt  }
0x66: {  	_ =	shalt  }
0x67: {  	_ =	shalt  }
0x68: {  	_ =	shalt  }
0x69: {  	_ =	shalt  }
0x6a: {  	_ =	shalt  }
0x6b: {  	_ =	shalt  }
0x6c: {  	_ =	shalt  }
0x6d: {  	_ =	shalt  }
0x6e: {  	_ =	shalt  }
0x6f: {  	_ =	shalt  }
0x70: {  	_ =	shalt  }
0x71: {  	_ =	shalt  }
0x72: {  	_ =	shalt  }
0x73: {  	_ =	shalt  }
0x74: {  	_ =	shalt  }
0x75: {  	_ =	shalt  }
0x76: {  	_ =	shalt  }
0x77: {  	_ =	shalt  }
0x78: {  	_ =	shalt  }
0x79: {  	_ =	shalt  }
0x7a: {  	_ =	shalt  }
0x7b: {  	_ =	shalt  }
0x7c: {  	_ =	shalt  }
0x7d: {  	_ =	shalt  }
0x7e: {  	_ =	shalt  }
0x7f: {  	_ =	shalt  }
0x80: {  	_ =	shalt  }
0x81: {  	_ =	shalt  }
0x82: {  	_ =	shalt  }
0x83: {  	_ =	shalt  }
0x84: {  	_ =	shalt  }
0x85: {  	_ =	shalt  }
0x86: {  	_ =	shalt  }
0x87: {  	_ =	shalt  }
.Lfunc_end0:
.L_simem_size_0:
called_computation_lowered:
.L_overlay_start_0:
0x88: {  	s2 =	sld [smem:$0x3FD9]  }
0x89: {  	s3 =	sld [smem:$0x3FFE];
	_ =	sdelay $0x1  }
0x8a: {  	s1 =	srdreg.scid  }
0x8b: {  	s0 =	sand.u32 $0x1, s1  }
0x8c: {  	s17 =	sshll.u32 s0, $0xA;
	s2 =	sadd.s32 s3, s2  }
0x8d: {  	s2 =	sadd.s32 s2, s17  }
0x8e: {  	[smem:$0x3FC4] =	sst s2  }
0x8f: {  	_ = 	snop  }
0x90: {  	s2 =	sld [smem:$0x3FD0];
	(tm) =	ssettm $0x1  }
0x91: {  	s18 =	sld [smem:$0x3FFB];
	_ =	sdelay $0x3  }
0x92: {  	_ =	strace s18  }
0x93: {  	s3 =	sld [smem:$0x3FFC];
	_ =	sdelay $0x3  }
0x94: {  	_ =	strace s3  }
0x95: {  	s3 =	sld [smem:$0x3FFD];
	_ =	sdelay $0x3  }
0x96: {  	_ =	strace s3  }
0x97: {  	_ =	strace $0x8FFFFFFF  }
0x98: {  	s19 =	sld [smem:$0x3FDB];
	_ =	sdelay $0x1  }
0x99: {  	s4 =	simm.s32 $_scs_section_size  }
0x9a: {  	s5 =	simm.s32 $_size__tile_overlayer_lowered;
	s6 =	simm.s32 $_tile_overlayer_lowered  }
0x9b: {  	s22 =	simm.s32 $0x1BFF;
	s21 =	sshll.u32 s6, $0x1;
	s3 =	sadd.s32 s4, s19  }
0x9c: {  	s7 =	simm.s32 $0x0;
	s20 =	sshll.u32 s5, $0x1;
	s5 =	sadd.s32 s21, s3  }
0x9d: {  	[timem:s7], [sflag:s22] =	dma.local [hbm:s5], s20  }
0x9e: {  	_ =	swait.ge [sflag:s22], s20  }
0x9f: {  	s4 =	ssub.s32 $0x0, s20;
	[sflag:s22] =	ssyncset.done $0x0  }
0xa0: {  	[sflag:s22] =	ssyncadd.s32 s4;
	_ =	sdelay $0x1  }
0xa1: {  	s23 =	simm.s32 $0x1B8B  }
0xa2: {  	_ =	swait.ge [sflag:s23], $0x1  }
0xa3: {  	[sflag:s23] =	ssyncset.done $0x0  }
0xa4: {  	s25 =	simm.s32 $0x1B8E;
	s24 =	sld [smem:$0x3FFE];
	[sflag:s23] =	ssyncadd.s32 $0xFFFFFFFF  }
0xa5: {  	s26 =	simm.s32 $execute0_lowered;
	[smem:$0x3FD2] =	sst s25  }
0xa6: {  	s5 =	sshll.u32 s26, $0x1;
	_ =	strace $0x80000046;
	[dreg:$0x1] =	wrdreg $0xFFFFFFFF  }
0xa7: {  	s28 =	simm.s32 $_size_execute0_lowered;
	s3 =	sadd.s32 s3, s5;
	[dreg:$0x0] =	wrdreg $0x0  }
0xa8: {  	s5 =	sshll.u32 s28, $0x1;
	[dreg:$0x2] =	wrdreg s3  }
0xa9: {  	[dreg:$0x3] =	wrdreg s5  }
0xaa: {  	[dreg:$0x4] =	wrdreg $0xC0  }
0xab: {  	_ =	task [dreg:s7], $0x5FFFF  }
0xac: {  	[dreg:$0x1] =	wrdreg $0xFFFFFFFF  }
0xad: {  	[dreg:$0x0] =	wrdreg $0x60  }
0xae: {  	[dreg:$0x2] =	wrdreg s24  }
0xaf: {  	[dreg:$0x3] =	wrdreg s2  }
0xb0: {  	[dreg:$0x4] =	wrdreg $0x0  }
0xb1: {  	[dreg:$0x5] =	wrdreg $0x9C400  }
0xb2: {  	[dreg:$0x6] =	wrdreg $0x9  }
0xb3: {  	_ =	task.clear_ibuf [dreg:s7], $0x7FFFF;
	_ =	strace $0x90000046  }
0xb4: {  	s29 =	simm.s32 $0x9;
	_ =	strace $0x80000048  }
0xb5: {  	_ =	swait.ge [sflag:s29], $0x1  }
0xb6: {  	[sflag:s29] =	ssyncadd.s32 $0xFFFFFFFF  }
0xb7: {  	_ =	strace $0x90000048  }
0xb8: {  	_ =	sfence  }
0xb9: {  	s30 =	sld [smem:$0x0];
	_ =	sdelay $0x2  }
0xba: {  	s31 =	sshll.u32 s1, $0xD;
	s1 =	sshrl.u32 s1, $0x2  }
0xbb: {  	s3 =	sand.u32 $0x4000, s31;
	s1 =	sadd.s32 s1, s30  }
0xbc: {  	s0 =	sor.u32 s3, s0;
	s1 =	sshll.u32 s1, $0x11  }
0xbd: {  	s0 =	sor.u32 s1, s0  }
0xbe: {  	s0 =	sadd.s32 $0x8F2B, s0  }
0xbf: {  	[sflag:s0] =	ssyncadd.remote.s32 $0x1  }
0xc0: {  	_ =	sfence.sel $0xFFFF  }
0xc1: {  	[dreg:$0x0] =	wrdreg $0xFFFFFFFF;
	(pc) =	sbr.abs _section_cstart, $3  }
0xc2: {  	[dreg:$0x1] =	wrdreg $0xFFFFFFFF  }
0xc3: {  	_ =	task.clear_ibuf [dreg:s7], $0x2FFFF;
	_ =	strace $0x9FFFFFFF  }
0xc4: {  	(tm) =	ssettm $0x7FFFFFFF  }
0xc5: {  	_ =	shalt  }
tec
execute0_lowered:
.L_overlay_start_1:
0x0: {  	(tag) =	ssettag $0x1  }
0x1: {  	s0 =	rddreg [dreg:$0x0]  }
0x2: {  	s3 =	rddreg [dreg:$0x1]  }
0x3: {  	s1 =	rddreg [dreg:$0x2]  }
0x4: {  	s2 =	rddreg [dreg:$0x3]  }
0x5: {  	s5 =	srdreg.scid;
	s4 =	simm.s32 $0x0;
	s16 =	stileid.u32  }
0x6: {  	s28 =	simm.s32 $0x4;
	s30 =	simm.s32 $0x5;
	s6 =	sand.u32 $0x1, s5  }
0x7: {  	[smem:$0x7FF] =	sst s4;
	s8 =	smul.u32 $0x1388, s16;
	s12 =	sadd.s32 $0x21000, s0  }
0x8: {  	s13 =	sadd.s32 $0x2200, s0;
	s11 =	sadd.s32 $0x2AC00, s0;
	s26 =	sadd.s32 $0xC000, s0  }
0x9: {  	s14 =	smul.u32 $0x13880, s16;
	_ =	strace $0x80000047;
	[dreg:$0x5] =	wrdreg s11  }
0xa: {  	s15 =	sadd.s32 $0x2AE00, s0;
	s18 =	sshll.u32 s16, $0x6;
	[dreg:$0x6] =	wrdreg s26  }
0xb: {  	s5 =	sshll.u32 s6, $0x4;
	s10 =	smul.u32 $0x13880, s6;
	[dreg:$0x7] =	wrdreg s15  }
0xc: {  	s29 =	ssub.s32 $0x2, s6;
	[dreg:$0x9] =	wrdreg s18;
	s6 =	smul.u32 $0x138800, s6  }
0xd: {  	s7 =	sor.u32 s16, s5;
	s5 =	sadd.s32 $0xD400, s0;
	s31 =	sshrl.u32 s29, $0x1  }
0xe: {  	s15 =	sshrl.u32 s14, $0x1;
	s9 =	sshll.u32 s7, $0x1;
	s17 =	smul.u32 $0x2700, s7  }
0xf: {  	s10 =	sadd.s32 s8, s10;
	s11 =	sadd.s32 s15, s1;
	s7 =	smul.u32 $0x4E0, s7  }
0x10: {  	s8 =	sadd.s32 s8, s2;
	s6 =	sadd.s32 s14, s6;
	s14 =	simm.s32 $0x11DE8  }
0x11: {  	s15 =	simm.s32 $0x13DE8;
	s9 =	sadd.s32 s9, s0;
	[dreg:$0x8] =	wrdreg s11  }
0x12: {  	s10 =	sshrl.u32 s10, $0x3;
	s11 =	sor.u32 $0x1C04, s18;
	[dreg:$0xa] =	wrdreg s8  }
0x13: {  	s6 =	sshrl.u32 s6, $0x4;
	s8 =	simm.s32 $0x3;
	s18 =	simm.s32 $0xFD48  }
0x14: {  	s0 =	sadd.s32 s10, s0;
	s10 =	ssub.s32 s29, s31;
	s20 =	sadd.s32 s12, s7  }
0x15: {  	s19 =	sshrl.u32 s17, $0x3;
	s7 =	sadd.s32 s13, s7;
	[dreg:$0xb] =	wrdreg s20  }
0x16: {  	s26 =	sadd.s32 $0xBE00, s9;
	s29 =	sadd.s32 $0x20E00, s9;
	[dreg:$0xc] =	wrdreg s7  }
0x17: {  	s3 =	sadd.s32 s3, s6;
	s6 =	simm.s32 $0x1;
	[dreg:$0x11] =	wrdreg s26  }
0x18: {  	s9 =	simm.s32 $0x6;
	s17 =	simm.s32 $0xFDC8;
	[dreg:$0x12] =	wrdreg s29  }
0x19: {  	s21 =	sadd.s32 $0x1A0, s19;
	[dreg:$0x13] =	wrdreg s3;
	s0 =	sadd.s32 $0x2B200, s0  }
0x1a: {  	s23 =	sadd.s32 $0x340, s19;
	s31 =	smax.u32 s10, $0x1;
	[dreg:$0x14] =	wrdreg s0  }
0x1b: {  	s3 =	simm.s32 $0x15DE8;
	s22 =	sadd.s32 s12, s21;
	[dreg:$0x15] =	wrdreg s31  }
0x1c: {  	s10 =	simm.s32 $0x7;
	s24 =	sadd.s32 s13, s21;
	[dreg:$0xd] =	wrdreg s22  }
0x1d: {  	s19 =	simm.s32 $0x10;
	s25 =	sadd.s32 s12, s23;
	[dreg:$0xe] =	wrdreg s24  }
0x1e: {  	s7 =	sadd.s32 s13, s23;
	s0 =	simm.s32 $0xFDD8;
	[dreg:$0xf] =	wrdreg s25  }
0x1f: {  	s12 =	simm.s32 $0x80;
	s13 =	simm.s32 $0xFDE8;
	[dreg:$0x10] =	wrdreg s7  }
0x20: {  	s25 =	simm.s32 $0x8;
	s7 =	simm.s32 $0x2;
	s24 =	simm.s32 $0x0  }
.LBB2_1:
0x21: {  	s16 =	rddreg [dreg:$0x8]  }
0x22: {  	s21 =	rddreg [dreg:$0x6];
	s20 =	sshrl.u32 s16, $0x3  }
0x23: {  	[spmem:s20], [sflag:s11] =	dma.local [hbm:s21], $0x1388  }
0x24: {  	s16 =	rddreg [dreg:$0x9]  }
0x25: {  	s22 =	rddreg [dreg:$0xa]  }
0x26: {  	s23 =	rddreg [dreg:$0x7];
	s26 =	sor.u32 $0x1C05, s16;
	s21 =	sshrl.u32 s22, $0x3  }
0x27: {  	[spmem:s21], [sflag:s26] =	dma.local [hbm:s23], $0x271  }
0x28: {  	s22 =	simm.s32 $0xAFC8;
	s16 =	rddreg [dreg:$0xb]  }
0x29: {  	[tilespmem:s22], [sflag:$0x1] =	stream.linear.gather [hbm4b:s16+s4], $0xD00, $0x38;
	[tilespmem:$0x161E8] =	vst v63  }
0x2a: {  	s23 =	simm.s32 $0xBCC8;
	s31 =	rddreg [dreg:$0xc]  }
0x2b: {  	[tilespmem:s23], [sflag:$0x1] =	stream.linear.gather [hbm4b:s31+s4], $0xD00, $0x38;
	[tilespmem:$0x161E8] =	vst v63  }
0x2c: {  	s31 =	rddreg [dreg:$0xd];
	s23 =	simm.s32 $0xC9C8  }
0x2d: {  	[tilespmem:s23], [sflag:$0x2] =	stream.linear.gather [hbm4b:s31+s4], $0xD00, $0x38;
	[tilespmem:$0x161E8] =	vst v63  }
0x2e: {  	s29 =	simm.s32 $0xD6C8;
	s31 =	rddreg [dreg:$0xe]  }
0x2f: {  	[tilespmem:s29], [sflag:$0x2] =	stream.linear.gather [hbm4b:s31+s4], $0xD00, $0x38;
	[tilespmem:$0x161E8] =	vst v63  }
0x30: {  	s31 =	rddreg [dreg:$0xf];
	s29 =	simm.s32 $0xE3C8  }
0x31: {  	[tilespmem:s29], [sflag:$0x3] =	stream.linear.gather [hbm4b:s31+s4], $0xD00, $0x38;
	[tilespmem:$0x161E8] =	vst v63  }
0x32: {  	s16 =	rddreg [dreg:$0x10];
	s31 =	simm.s32 $0xF0C8  }
0x33: {  	[tilespmem:s31], [sflag:$0x3] =	stream.linear.gather [hbm4b:s16+s4], $0xD00, $0x38;
	[tilespmem:$0x161E8] =	vst v63  }
0x34: {  	s31 =	rddreg [dreg:$0x11]  }
0x35: {  	[tilespmem:s17], [sflag:$0x6] =	stream.linear.gather [hbm4b:s31+s4], $0x10, $0x38;
	[tilespmem:$0x161E8] =	vst v63  }
0x36: {  	s31 =	rddreg [dreg:$0x12]  }
0x37: {  	[tilespmem:s0], [sflag:$0x6] =	stream.linear.gather [hbm4b:s31+s4], $0x10, $0x38;
	[tilespmem:$0x161E8] =	vst v63  }
0x38: {  	s31 =	rddreg [dreg:$0x5]  }
0x39: {  	[tilespmem:s3], [sflag:$0x8] =	stream.linear.gather [hbm4b:s31+s4], $0x400, $0x38;
	[tilespmem:$0x161E8] =	vst v63  }
0x3a: {  	_ =	swait.ge [sflag:s25], $0x400  }
0x3b: {  	[sflag:s25] =	ssyncset.done $0x0  }
0x3c: {  	[sflag:s25] =	ssyncadd.s32 $0xFFFFFC00  }
0x3d: {  	_ =	swait.ge [sflag:s28], $0x1388  }
0x3e: {  	[sflag:s28] =	ssyncset.done $0x0  }
0x3f: {  	[sflag:s28] =	ssyncadd.s32 $0xFFFFEC78  }
0x40: {  	_ =	swait.ge [sflag:s30], $0x271  }
0x41: {  	[sflag:s30] =	ssyncset.done $0x0  }
0x42: {  	[sflag:s30] =	ssyncadd.s32 $0xFFFFFD8F  }
0x43: {  	_ =	swait.ge [sflag:s6], $0xD00  }
0x44: {  	[sflag:s6] =	ssyncset.done $0x0  }
0x45: {  	[sflag:s6] =	ssyncadd.s32 $0xFFFFF300  }
0x46: {  	_ =	swait.ge [sflag:s6], $0xD00  }
0x47: {  	[sflag:s6] =	ssyncset.done $0x0  }
0x48: {  	[sflag:s6] =	ssyncadd.s32 $0xFFFFF300  }
0x49: {  	_ =	swait.ge [sflag:s7], $0xD00  }
0x4a: {  	[sflag:s7] =	ssyncset.done $0x0  }
0x4b: {  	[sflag:s7] =	ssyncadd.s32 $0xFFFFF300  }
0x4c: {  	_ =	swait.ge [sflag:s7], $0xD00  }
0x4d: {  	[sflag:s7] =	ssyncset.done $0x0  }
0x4e: {  	[sflag:s7] =	ssyncadd.s32 $0xFFFFF300  }
0x4f: {  	_ =	swait.ge [sflag:s8], $0xD00  }
0x50: {  	[sflag:s8] =	ssyncset.done $0x0  }
0x51: {  	[sflag:s8] =	ssyncadd.s32 $0xFFFFF300  }
0x52: {  	_ =	swait.ge [sflag:s8], $0xD00  }
0x53: {  	[sflag:s8] =	ssyncset.done $0x0  }
0x54: {  	[sflag:s8] =	ssyncadd.s32 $0xFFFFF300  }
0x55: {  	_ =	swait.ge [sflag:s9], $0x10  }
0x56: {  	[sflag:s9] =	ssyncset.done $0x0  }
0x57: {  	[sflag:s9] =	ssyncadd.s32 $0xFFFFFFF0  }
0x58: {  	_ =	swait.ge [sflag:s9], $0x10  }
0x59: {  	[sflag:s9] =	ssyncset.done $0x0  }
0x5a: {  	[sflag:s9] =	ssyncadd.s32 $0xFFFFFFF0  }
0x5b: {  	[bflag:$0x0] =	sbarrier.arrive $0xFFFF  }
0x5c: {  	[tilespmem:s13], [sflag:$0x1] =	stream.indirect.gather [hbm4b:s5+s12], $0x40, s22, s12, $0xb8;
	[tilespmem:$0x161E8] =	vst v63  }
0x5d: {  	_ = 	snop  }
0x5e: {  	[tilespmem:s14], [sflag:$0x2] =	stream.indirect.gather [hbm4b:s5+s12], $0x40, s23, s12, $0xb8;
	[tilespmem:$0x161E8] =	vst v63  }
0x5f: {  	_ = 	snop  }
0x60: {  	[tilespmem:s15], [sflag:$0x3] =	stream.indirect.gather [hbm4b:s5+s12], $0x40, s29, s12, $0xb8;
	[tilespmem:$0x161E8] =	vst v63  }
0x61: {  	s16 =	simm.s32 $0xBCC8  }
0x62: {  	[spmem:s2] =	stream.indirect.scatter.add.f32 [tilespmem:s3], [sflag:$0x7], $0x8, s16, s12, $0xb8;
	[tilespmem:$0x161E8] =	vst v63  }
0x63: {  	_ =	swait.ge [sflag:s6], $0x2000  }
0x64: {  	[sflag:s6] =	ssyncset.done $0x0  }
0x65: {  	[sflag:s6] =	ssyncadd.s32 $0xFFFFE000  }
0x66: {  	[spmem:s1] =	stream.indirect.scatter.add.bf16 [tilespmem:s13], [sflag:$0x4], $0x40, s16, s12, $0xb8;
	[tilespmem:$0x161E8] =	vst v63  }
0x67: {  	s23 =	simm.s32 $0xD6C8  }
0x68: {  	[spmem:s2] =	stream.indirect.scatter.add.f32 [tilespmem:s3], [sflag:$0x7], $0x8, s23, s12, $0xb8;
	[tilespmem:$0x161E8] =	vst v63  }
0x69: {  	_ =	swait.ge [sflag:s7], $0x2000  }
0x6a: {  	[sflag:s7] =	ssyncset.done $0x0  }
0x6b: {  	[sflag:s7] =	ssyncadd.s32 $0xFFFFE000  }
0x6c: {  	[spmem:s1] =	stream.indirect.scatter.add.bf16 [tilespmem:s14], [sflag:$0x5], $0x40, s23, s12, $0xb8;
	[tilespmem:$0x161E8] =	vst v63  }
0x6d: {  	s31 =	simm.s32 $0xF0C8  }
0x6e: {  	[spmem:s2] =	stream.indirect.scatter.add.f32 [tilespmem:s3], [sflag:$0x7], $0x8, s31, s12, $0xb8;
	[tilespmem:$0x161E8] =	vst v63  }
0x6f: {  	_ =	swait.ge [sflag:s8], $0x2000  }
0x70: {  	[sflag:s8] =	ssyncset.done $0x0  }
0x71: {  	[sflag:s8] =	ssyncadd.s32 $0xFFFFE000  }
0x72: {  	[spmem:s1] =	stream.indirect.scatter.add.bf16 [tilespmem:s15], [sflag:$0x6], $0x40, s31, s12, $0xb8;
	[tilespmem:$0x161E8] =	vst v63  }
0x73: {  	_ =	swait.ge [sflag:s28], $0x2000  }
0x74: {  	[sflag:s28] =	ssyncset.done $0x0  }
0x75: {  	s16 =	simm.s32 $0xB048;
	[sflag:s28] =	ssyncadd.s32 $0xFFFFE000  }
0x76: {  	[tilespmem:s13], [sflag:$0x1] =	stream.indirect.gather [hbm4b:s5+s12], $0x40, s16, s12, $0xb8;
	[tilespmem:$0x161E8] =	vst v63  }
0x77: {  	_ =	swait.ge [sflag:s30], $0x2000  }
0x78: {  	[sflag:s30] =	ssyncset.done $0x0  }
0x79: {  	s23 =	simm.s32 $0xCA48;
	[sflag:s30] =	ssyncadd.s32 $0xFFFFE000  }
0x7a: {  	[tilespmem:s14], [sflag:$0x2] =	stream.indirect.gather [hbm4b:s5+s12], $0x40, s23, s12, $0xb8;
	[tilespmem:$0x161E8] =	vst v63  }
0x7b: {  	_ =	swait.ge [sflag:s9], $0x2000  }
0x7c: {  	[sflag:s9] =	ssyncset.done $0x0  }
0x7d: {  	s31 =	simm.s32 $0xE448;
	[sflag:s9] =	ssyncadd.s32 $0xFFFFE000  }
0x7e: {  	[tilespmem:s15], [sflag:$0x3] =	stream.indirect.gather [hbm4b:s5+s12], $0x40, s31, s12, $0xb8;
	[tilespmem:$0x161E8] =	vst v63  }
0x7f: {  	_ =	swait.ge [sflag:s10], $0x400  }
0x80: {  	[sflag:s10] =	ssyncset.done $0x0  }
0x81: {  	[sflag:s10] =	ssyncadd.s32 $0xFFFFFC00  }
0x82: {  	_ =	swait.ge [sflag:s10], $0x400  }
0x83: {  	[sflag:s10] =	ssyncset.done $0x0  }
0x84: {  	[sflag:s10] =	ssyncadd.s32 $0xFFFFFC00  }
0x85: {  	_ =	swait.ge [sflag:s10], $0x400  }
0x86: {  	s22 =	simm.s32 $0x80;
	s29 =	simm.s32 $0x400;
	[sflag:s10] =	ssyncset.done $0x0  }
.LBB2_2:
0x87: {  	s16 =	sadd.s32 $0xBCC8, s22  }
0x88: {  	[sflag:s10] =	ssyncadd.s32 $0xFFFFFC00;
	s23 =	smov.u32 s29;
	s31 =	sadd.s32 $0x200, s29  }
0x89: {  	[spmem:s2] =	stream.indirect.scatter.add.f32 [tilespmem:s3], [sflag:$0x7], $0x8, s16, s12, $0xb8;
	[tilespmem:$0x161E8] =	vst v63  }
0x8a: {  	p0 =	sne.s32 s29, $0x3000;
	_ =	swait.ge [sflag:s6], $0x2000  }
0x8b: {  	[sflag:s6] =	ssyncset.done $0x0  }
0x8c: {  	[sflag:s6] =	ssyncadd.s32 $0xFFFFE000  }
0x8d: {  	[spmem:s1] =	stream.indirect.scatter.add.bf16 [tilespmem:s13], [sflag:$0x4], $0x40, s16, s12, $0xb8;
	[tilespmem:$0x161E8] =	vst v63  }
0x8e: {  	s16 =	sadd.s32 $0xD6C8, s22  }
0x8f: {  	[spmem:s2] =	stream.indirect.scatter.add.f32 [tilespmem:s3], [sflag:$0x7], $0x8, s16, s12, $0xb8;
	[tilespmem:$0x161E8] =	vst v63  }
0x90: {  	_ =	swait.ge [sflag:s7], $0x2000  }
0x91: {  	[sflag:s7] =	ssyncset.done $0x0  }
0x92: {  	[sflag:s7] =	ssyncadd.s32 $0xFFFFE000  }
0x93: {  	[spmem:s1] =	stream.indirect.scatter.add.bf16 [tilespmem:s14], [sflag:$0x5], $0x40, s16, s12, $0xb8;
	[tilespmem:$0x161E8] =	vst v63  }
0x94: {  	s16 =	sadd.s32 $0xF0C8, s22  }
0x95: {  	[spmem:s2] =	stream.indirect.scatter.add.f32 [tilespmem:s3], [sflag:$0x7], $0x8, s16, s12, $0xb8;
	[tilespmem:$0x161E8] =	vst v63  }
0x96: {  	_ =	swait.ge [sflag:s8], $0x2000  }
0x97: {  	[sflag:s8] =	ssyncset.done $0x0  }
0x98: {  	[sflag:s8] =	ssyncadd.s32 $0xFFFFE000  }
0x99: {  	[spmem:s1] =	stream.indirect.scatter.add.bf16 [tilespmem:s15], [sflag:$0x6], $0x40, s16, s12, $0xb8;
	[tilespmem:$0x161E8] =	vst v63  }
0x9a: {  	_ =	swait.ge [sflag:s28], $0x2000  }
0x9b: {  	[sflag:s28] =	ssyncset.done $0x0  }
0x9c: {  	s16 =	sadd.s32 $0xB048, s22;
	[sflag:s28] =	ssyncadd.s32 $0xFFFFE000  }
0x9d: {  	[tilespmem:s13], [sflag:$0x1] =	stream.indirect.gather [hbm4b:s5+s12], $0x40, s16, s12, $0xb8;
	[tilespmem:$0x161E8] =	vst v63  }
0x9e: {  	_ =	swait.ge [sflag:s30], $0x2000  }
0x9f: {  	[sflag:s30] =	ssyncset.done $0x0  }
0xa0: {  	s16 =	sadd.s32 $0xCA48, s22;
	[sflag:s30] =	ssyncadd.s32 $0xFFFFE000  }
0xa1: {  	[tilespmem:s14], [sflag:$0x2] =	stream.indirect.gather [hbm4b:s5+s12], $0x40, s16, s12, $0xb8;
	[tilespmem:$0x161E8] =	vst v63  }
0xa2: {  	_ =	swait.ge [sflag:s9], $0x2000  }
0xa3: {  	[sflag:s9] =	ssyncset.done $0x0  }
0xa4: {  	s16 =	sadd.s32 $0xE448, s22;
	[sflag:s9] =	ssyncadd.s32 $0xFFFFE000  }
0xa5: {  	[tilespmem:s15], [sflag:$0x3] =	stream.indirect.gather [hbm4b:s5+s12], $0x40, s16, s12, $0xb8;
	[tilespmem:$0x161E8] =	vst v63  }
0xa6: {  	_ =	swait.ge [sflag:s10], $0x400  }
0xa7: {  	[sflag:s10] =	ssyncset.done $0x0  }
0xa8: {  	[sflag:s10] =	ssyncadd.s32 $0xFFFFFC00  }
.Ltmp0:
0xa9: {  	_ =	swait.ge [sflag:s10], $0x400;
	(pc) =	sbr.rel @p0 .LBB2_2-.Ltmp0, $4  }
0xaa: {  	[sflag:s10] =	ssyncset.done $0x0  }
0xab: {  	[sflag:s10] =	ssyncadd.s32 $0xFFFFFC00  }
0xac: {  	_ =	swait.ge [sflag:s10], $0x400  }
0xad: {  	s29 =	smov.u32 s31;
	s22 =	sshra.s32 s23, $0x2;
	[sflag:s10] =	ssyncset.done $0x0  }
0xae: {  	s16 =	sadd.s32 $0xBCC8, s22;
	[sflag:s10] =	ssyncadd.s32 $0xFFFFFC00  }
0xaf: {  	[spmem:s2] =	stream.indirect.scatter.add.f32 [tilespmem:s3], [sflag:$0x7], $0x8, s16, s12, $0xb8;
	[tilespmem:$0x161E8] =	vst v63  }
0xb0: {  	_ =	swait.ge [sflag:s6], $0x2000  }
0xb1: {  	[sflag:s6] =	ssyncset.done $0x0  }
0xb2: {  	[sflag:s6] =	ssyncadd.s32 $0xFFFFE000  }
0xb3: {  	[spmem:s1] =	stream.indirect.scatter.add.bf16 [tilespmem:s13], [sflag:$0x4], $0x40, s16, s12, $0xb8;
	[tilespmem:$0x161E8] =	vst v63  }
0xb4: {  	s23 =	sadd.s32 $0xD6C8, s22  }
0xb5: {  	[spmem:s2] =	stream.indirect.scatter.add.f32 [tilespmem:s3], [sflag:$0x7], $0x8, s23, s12, $0xb8;
	[tilespmem:$0x161E8] =	vst v63  }
0xb6: {  	_ =	swait.ge [sflag:s7], $0x2000  }
0xb7: {  	[sflag:s7] =	ssyncset.done $0x0  }
0xb8: {  	[sflag:s7] =	ssyncadd.s32 $0xFFFFE000  }
0xb9: {  	[spmem:s1] =	stream.indirect.scatter.add.bf16 [tilespmem:s14], [sflag:$0x5], $0x40, s23, s12, $0xb8;
	[tilespmem:$0x161E8] =	vst v63  }
0xba: {  	s29 =	sadd.s32 $0xF0C8, s22  }
0xbb: {  	[spmem:s2] =	stream.indirect.scatter.add.f32 [tilespmem:s3], [sflag:$0x7], $0x8, s29, s12, $0xb8;
	[tilespmem:$0x161E8] =	vst v63  }
0xbc: {  	_ =	swait.ge [sflag:s8], $0x2000  }
0xbd: {  	[sflag:s8] =	ssyncset.done $0x0  }
0xbe: {  	[sflag:s8] =	ssyncadd.s32 $0xFFFFE000  }
0xbf: {  	[spmem:s1] =	stream.indirect.scatter.add.bf16 [tilespmem:s15], [sflag:$0x6], $0x40, s29, s12, $0xb8;
	[tilespmem:$0x161E8] =	vst v63  }
0xc0: {  	_ =	swait.ge [sflag:s28], $0x2000  }
0xc1: {  	[sflag:s28] =	ssyncset.done $0x0  }
0xc2: {  	s31 =	sadd.s32 $0xB048, s22;
	[sflag:s28] =	ssyncadd.s32 $0xFFFFE000  }
0xc3: {  	[tilespmem:s13], [sflag:$0x1] =	stream.indirect.gather [hbm4b:s5+s12], $0x40, s31, s12, $0xb8;
	[tilespmem:$0x161E8] =	vst v63  }
0xc4: {  	_ =	swait.ge [sflag:s30], $0x2000  }
0xc5: {  	[sflag:s30] =	ssyncset.done $0x0  }
0xc6: {  	s23 =	sadd.s32 $0xCA48, s22;
	[sflag:s30] =	ssyncadd.s32 $0xFFFFE000  }
0xc7: {  	[tilespmem:s14], [sflag:$0x2] =	stream.indirect.gather [hbm4b:s5+s12], $0x40, s23, s12, $0xb8;
	[tilespmem:$0x161E8] =	vst v63  }
0xc8: {  	_ =	swait.ge [sflag:s9], $0x2000  }
0xc9: {  	[sflag:s9] =	ssyncset.done $0x0  }
0xca: {  	s29 =	sadd.s32 $0xE448, s22;
	[sflag:s9] =	ssyncadd.s32 $0xFFFFE000  }
0xcb: {  	[tilespmem:s15], [sflag:$0x3] =	stream.indirect.gather [hbm4b:s5+s12], $0x40, s29, s12, $0xb8;
	[tilespmem:$0x161E8] =	vst v63  }
0xcc: {  	_ =	swait.ge [sflag:s10], $0x400  }
0xcd: {  	[sflag:s10] =	ssyncset.done $0x0  }
0xce: {  	[sflag:s10] =	ssyncadd.s32 $0xFFFFFC00  }
0xcf: {  	_ =	swait.ge [sflag:s10], $0x400  }
0xd0: {  	[sflag:s10] =	ssyncset.done $0x0  }
0xd1: {  	[sflag:s10] =	ssyncadd.s32 $0xFFFFFC00  }
0xd2: {  	_ =	swait.ge [sflag:s10], $0x400  }
0xd3: {  	[sflag:s10] =	ssyncset.done $0x0  }
0xd4: {  	s31 =	simm.s32 $0xC948;
	[sflag:s10] =	ssyncadd.s32 $0xFFFFFC00  }
0xd5: {  	[spmem:s2] =	stream.indirect.scatter.add.f32 [tilespmem:s3], [sflag:$0x7], $0x8, s31, s12, $0xb8;
	[tilespmem:$0x161E8] =	vst v63  }
0xd6: {  	_ =	swait.ge [sflag:s6], $0x2000  }
0xd7: {  	[sflag:s6] =	ssyncset.done $0x0  }
0xd8: {  	[sflag:s6] =	ssyncadd.s32 $0xFFFFE000  }
0xd9: {  	[spmem:s1] =	stream.indirect.scatter.add.bf16 [tilespmem:s13], [sflag:$0x4], $0x40, s31, s12, $0xb8;
	[tilespmem:$0x161E8] =	vst v63  }
0xda: {  	s22 =	simm.s32 $0xE348  }
0xdb: {  	[spmem:s2] =	stream.indirect.scatter.add.f32 [tilespmem:s3], [sflag:$0x7], $0x8, s22, s12, $0xb8;
	[tilespmem:$0x161E8] =	vst v63  }
0xdc: {  	_ =	swait.ge [sflag:s7], $0x2000  }
0xdd: {  	[sflag:s7] =	ssyncset.done $0x0  }
0xde: {  	[sflag:s7] =	ssyncadd.s32 $0xFFFFE000  }
0xdf: {  	[spmem:s1] =	stream.indirect.scatter.add.bf16 [tilespmem:s14], [sflag:$0x5], $0x40, s22, s12, $0xb8;
	[tilespmem:$0x161E8] =	vst v63  }
0xe0: {  	_ = 	snop  }
0xe1: {  	[spmem:s2] =	stream.indirect.scatter.add.f32 [tilespmem:s3], [sflag:$0x7], $0x8, s18, s12, $0xb8;
	[tilespmem:$0x161E8] =	vst v63  }
0xe2: {  	_ =	swait.ge [sflag:s8], $0x2000  }
0xe3: {  	[sflag:s8] =	ssyncset.done $0x0  }
0xe4: {  	[sflag:s8] =	ssyncadd.s32 $0xFFFFE000  }
0xe5: {  	[spmem:s1] =	stream.indirect.scatter.add.bf16 [tilespmem:s15], [sflag:$0x6], $0x40, s18, s12, $0xb8;
	[tilespmem:$0x161E8] =	vst v63  }
0xe6: {  	_ =	swait.ge [sflag:s28], $0x2000  }
0xe7: {  	[sflag:s28] =	ssyncset.done $0x0  }
0xe8: {  	[sflag:s28] =	ssyncadd.s32 $0xFFFFE000  }
0xe9: {  	_ =	swait.ge [sflag:s30], $0x2000  }
0xea: {  	[sflag:s30] =	ssyncset.done $0x0  }
0xeb: {  	[sflag:s30] =	ssyncadd.s32 $0xFFFFE000  }
0xec: {  	_ =	swait.ge [sflag:s9], $0x2000  }
0xed: {  	[sflag:s9] =	ssyncset.done $0x0  }
0xee: {  	[sflag:s9] =	ssyncadd.s32 $0xFFFFE000  }
0xef: {  	_ =	swait.ge [sflag:s10], $0x400  }
0xf0: {  	[sflag:s10] =	ssyncset.done $0x0  }
0xf1: {  	[sflag:s10] =	ssyncadd.s32 $0xFFFFFC00  }
0xf2: {  	_ =	swait.ge [sflag:s10], $0x400  }
0xf3: {  	[sflag:s10] =	ssyncset.done $0x0  }
0xf4: {  	[sflag:s10] =	ssyncadd.s32 $0xFFFFFC00  }
0xf5: {  	_ =	swait.ge [sflag:s10], $0x400  }
0xf6: {  	[sflag:s10] =	ssyncset.done $0x0  }
0xf7: {  	[sflag:s10] =	ssyncadd.s32 $0xFFFFFC00  }
0xf8: {  	[spmem:s2] =	stream.indirect.scatter.add.f32 [tilespmem:s3], [sflag:$0x7], $0x8, s0, s19, $0xb8;
	[tilespmem:$0x161E8] =	vst v63  }
0xf9: {  	s23 =	simm.s32 $0xFDC8  }
0xfa: {  	[tilespmem:s13], [sflag:$0x1] =	stream.indirect.gather [hbm4b:s5+s19], $0x40, s23, s19, $0xb8;
	[tilespmem:$0x161E8] =	vst v63  }
0xfb: {  	_ =	swait.ge [sflag:s6], $0x400  }
0xfc: {  	[sflag:s6] =	ssyncset.done $0x0  }
0xfd: {  	[sflag:s6] =	ssyncadd.s32 $0xFFFFFC00  }
0xfe: {  	[spmem:s1] =	stream.indirect.scatter.add.bf16 [tilespmem:s13], [sflag:$0x8], $0x40, s0, s19, $0xb8;
	[tilespmem:$0x161E8] =	vst v63  }
0xff: {  	_ =	swait.ge [sflag:s25], $0x400  }
0x100: {  	[sflag:s25] =	ssyncset.done $0x0  }
0x101: {  	[sflag:s25] =	ssyncadd.s32 $0xFFFFFC00  }
0x102: {  	_ =	swait.ge [sflag:s10], $0x80  }
0x103: {  	[sflag:s10] =	ssyncset.done $0x0  }
0x104: {  	[sflag:s10] =	ssyncadd.s32 $0xFFFFFF80  }
0x105: {  	[bflag:$0x0] =	sbarrier.arrive $0xFFFF  }
0x106: {  	s29 =	rddreg [dreg:$0x13]  }
0x107: {  	[hbm:s29], [sflag:s11] =	dma.local [spmem:s20], $0x1388  }
0x108: {  	s16 =	rddreg [dreg:$0x14]  }
0x109: {  	[hbm:s16], [sflag:s26] =	dma.local [spmem:s21], $0x271  }
0x10a: {  	_ =	swait.ge [sflag:s28], $0x1388  }
0x10b: {  	[sflag:s28] =	ssyncset.done $0x0  }
0x10c: {  	[sflag:s28] =	ssyncadd.s32 $0xFFFFEC78  }
0x10d: {  	_ =	swait.ge [sflag:s30], $0x271  }
0x10e: {  	s24 =	sadd.s32 $0x1, s24;
	s31 =	rddreg [dreg:$0x15]  }
0x10f: {  	p0 =	sne.s32 s24, s31  }
.Ltmp1:
0x110: {  	_ = 	snop;
	(pc) =	sbr.rel @p0 .LBB2_1-.Ltmp1, $3  }
0x111: {  	_ =	sdelay $0x1  }
0x112: {  	[sflag:s30] =	ssyncset.done $0x0  }
0x113: {  	[sflag:s30] =	ssyncadd.s32 $0xFFFFFD8F  }
0x114: {  	_ =	sfence.sel $0x180000  }
0x115: {  	[bflag:$0x0] =	sbarrier.arrive $0xFFFF  }
0x116: {  	_ =	strace $0x90000047  }
0x117: {  	s0 =	stileid.u32;
	[bflag:$0x2] =	sbarrier.arrive $0xFFFF  }
0x118: {  	p0 =	sne.s32 s0, $0x0;
	s0 =	rddreg [dreg:$0x4]  }
0x119: {  	s0 =	sadd.s32 @!p0 $0x100000, s0  }
0x11a: {  	[sflag:s0] =	ssyncadd.tile.s32 @!p0 $0x1;
	_ =	shalt  }
.Lfunc_end2:
_tile_overlayer_lowered:
.L_overlay_start_2:
0x11b: {  	(tag) =	ssettag $0x2  }
0x11c: {  	s0 =	rddreg [dreg:$0x0];
	s2 =	stileid.u32  }
0x11d: {  	s1 =	rddreg [dreg:$0x1];
	p0 =	sne.s32 s2, $0x0  }
0x11e: {  	s3 =	rddreg [dreg:$0x2];
	[bflag:$0x3] =	sbarrier.arrive $0xFFFF;
	s2 =	simm.s32 @!p0 $0x1C08  }
0x11f: {  	[timem:s3], [sflag:s2] =	dma.local @!p0 [hbm:s0], s1  }
0x120: {  	s0 =	simm.s32 @!p0 $0x8  }
0x121: {  	_ =	swait.ge @!p0 [sflag:s0], s1  }
0x122: {  	s1 =	ssub.s32 @!p0 $0x0, s1;
	[sflag:s0] =	ssyncset.done @!p0 $0x0  }
0x123: {  	[sflag:s0] =	ssyncadd.s32 @!p0 s1  }
0x124: {  	[bflag:$0x3] =	sbarrier.arrive $0xFFFF  }
0x125: {  	_ =	shalt  }

</sc_bundles>
